<compile_context>
chip_gen: v7x
topology: tpu7x:2x2x1
jax: 0.10.2.dev20260603
libtpu: 0.0.44.dev20260713+nightly
codegen_flags: <defaults>
</compile_context>

<pallas_src>
import functools

import jax
import jax.numpy as jnp
from jax import lax
from jax.experimental import pallas as pl
from jax.experimental.pallas import tpu as pltpu
from jax.experimental.pallas import tpu_sc as plsc

_DIM = 768
_EPS = 1e-8
_INV_SQRT_D = 1.0 / (_DIM ** 0.5)

_NBUF = 8
_S_CHUNK = 288

_N_SC_WORKERS = 8


def _sc_gather(idx, table):
    B = idx.shape[0]
    D = table.shape[-1]
    rows_per_w = B // _N_SC_WORKERS
    mesh = plsc.VectorSubcoreMesh(core_axis_name="c", subcore_axis_name="s")

    @functools.partial(
        pl.kernel,
        mesh=mesh,
        out_type=jax.ShapeDtypeStruct((B, D), jnp.float32),
        scratch_types=[
            pltpu.VMEM((rows_per_w,), jnp.int32),
            pltpu.VMEM((rows_per_w, D), jnp.float32),
            pltpu.SemaphoreType.DMA,
        ],
    )
    def k(idx_hbm, table_hbm, out_hbm, idx_v, rows_v, sem):
        wid = lax.axis_index("s") * 2 + lax.axis_index("c")

        @pl.when(wid < _N_SC_WORKERS)
        def _():
            base = wid * rows_per_w
            pltpu.sync_copy(idx_hbm.at[pl.ds(base, rows_per_w)], idx_v)
            pltpu.async_copy(table_hbm.at[idx_v], rows_v, sem).wait()
            pltpu.sync_copy(rows_v, out_hbm.at[pl.ds(base, rows_per_w)])

    return k(idx, table)


def _make_body(B, S, D):
    n_s = S // _S_CHUNK
    n_units = B * n_s

    def body(h_hbm, pe_ref, w_ref, o_hbm, in_buf, out_buf, in_sems, out_sems):
        def in_copy(u, slot):
            b = u // n_s
            s = lax.rem(u, n_s)
            return pltpu.make_async_copy(
                h_hbm.at[b, pl.ds(s * _S_CHUNK, _S_CHUNK), :],
                in_buf.at[slot],
                in_sems.at[slot],
            )

        def out_copy(u, slot):
            b = u // n_s
            s = lax.rem(u, n_s)
            return pltpu.make_async_copy(
                out_buf.at[slot],
                o_hbm.at[b, pl.ds(s * _S_CHUNK, _S_CHUNK), :],
                out_sems.at[slot],
            )

        for i in range(_NBUF):
            in_copy(i, i).start()

        def step(u, carry):
            slot = lax.rem(u, _NBUF)
            in_copy(u, slot).wait()

            @pl.when(u >= _NBUF)
            def _():
                out_copy(u - _NBUF, slot).wait()

            b = u // n_s
            pe_row = pe_ref[b, :]
            x = in_buf[slot] + pe_row[None, :]
            ssq = jnp.sum(x * x, axis=-1, keepdims=True)
            recip = 1.0 / (jnp.sqrt(ssq) * _INV_SQRT_D + _EPS)
            out_buf[slot] = x * (recip * w_ref[...])

            out_copy(u, slot).start()

            @pl.when(u + _NBUF < n_units)
            def _():
                in_copy(u + _NBUF, slot).start()

            return carry

        lax.fori_loop(0, n_units, step, 0)

        for i in range(_NBUF):
            u = n_units - _NBUF + i
            out_copy(u, u % _NBUF).wait()

    return body


def kernel(hidden_state, index, pos_embed, weight):
    B, S, D = hidden_state.shape
    idx = index.astype(jnp.int32)
    table = pos_embed.reshape(pos_embed.shape[0], D)
    pe = _sc_gather(idx, table)
    w2d = weight.reshape(1, D)

    return pl.pallas_call(
        _make_body(B, S, D),
        grid=(1,),
        in_specs=[
            pl.BlockSpec(memory_space=pl.ANY),
            pl.BlockSpec((B, D), lambda i: (0, 0)),
            pl.BlockSpec((1, D), lambda i: (0, 0)),
        ],
        out_specs=pl.BlockSpec(memory_space=pl.ANY),
        out_shape=jax.ShapeDtypeStruct((B, S, D), jnp.float32),
        scratch_shapes=[
            pltpu.VMEM((_NBUF, _S_CHUNK, D), jnp.float32),
            pltpu.VMEM((_NBUF, _S_CHUNK, D), jnp.float32),
            pltpu.SemaphoreType.DMA((_NBUF,)),
            pltpu.SemaphoreType.DMA((_NBUF,)),
        ],
    )(hidden_state, pe, w2d)

# --- scband reference (transcript-rebuilt; emitter-appended) ---
"""Pipeline reference for scband-add-view-positional-embedding-67894843015440 (READ-ONLY COPY).

The authoritative reference and input builder live on the scoring server;
editing this copy changes nothing except your own understanding.
"""

import jax, jax.numpy as jnp
import numpy as np

NUM_VP = 16
DIM = 768
B = 64
S = 576
EPS = 1e-8

def setup_inputs(seed: int = 0) -> dict:
    key = jax.random.key(seed)
    k1, k2, k3 = jax.random.split(key, 3)
    hidden_state = jax.random.normal(k1, (B, S, DIM), dtype=jnp.float32)
    index = jax.random.randint(k2, (B,), 0, NUM_VP, dtype=jnp.int64 if jax.config.jax_enable_x64 else jnp.int32)
    pos_embed = jax.random.normal(k3, (NUM_VP, 1, DIM), dtype=jnp.float32)
    weight = jnp.ones((DIM,), dtype=jnp.float32)
    return {"hidden_state": hidden_state, "index": index, "pos_embed": pos_embed, "weight": weight}

def reference(hidden_state, index, pos_embed, weight):
    # gather per-sample positional embedding: [B, 1, DIM]
    pe = jnp.take(pos_embed, index, axis=0)
    x = hidden_state + pe  # broadcast over sequence
    # RMSNorm (as implemented in the torch module via L2 norm / sqrt(d))
    norm = jnp.linalg.norm(x, ord=2, axis=-1, keepdims=True)
    rms = norm / (x.shape[-1] ** 0.5)
    return x / (rms + EPS) * weight

if __name__ == "__main__":
    import jax
    _d = setup_inputs()
    print(jax.jit(kernel)(*tuple(_d.values())))

</pallas_src>

<mosaic_0001>
#map = affine_map<(d0, d1) -> (0)>
#map1 = affine_map<(d0, d1) -> (0, 0)>
module attributes {stable_mosaic.version = 14 : i64} {
  func.func @k(%arg0: i32, %arg1: i32, %arg2: memref<64xi32, #tpu.memory_space<hbm>>, %arg3: memref<16x768xf32, #tpu.memory_space<hbm>>, %arg4: memref<64x768xf32, #tpu.memory_space<hbm>>, %arg5: memref<8xi32, #tpu.memory_space<vmem>>, %arg6: memref<8x768xf32, #tpu.memory_space<vmem>>, %arg7: memref<!tpu.dma_semaphore, #tpu.memory_space<semaphore_mem>>) attributes {dimension_semantics = [#tpu.dimension_semantics<core_parallel>, #tpu.dimension_semantics<subcore_parallel>], iteration_bounds = array<i64: 2, 16>, scalar_prefetch = 0 : i64, scratch_operands = 3 : i64, tpu.core_type = #tpu.core_type<sc_vector_subcore>, window_params = [{transform_indices = #map}, {transform_indices = #map1}, {transform_indices = #map1}]} {
    %mul3A = arith.constant 2 : i32
    %mul3A_0 = arith.muli %arg1, %mul3A : i32
    %add3A = arith.addi %mul3A_0, %arg0 : i32
    %lt3A = arith.constant 8 : i32
    %lt3A_1 = arith.cmpi slt, %add3A, %lt3A : i32
    %convert_element_type3A = arith.extui %lt3A_1 : i1 to i32
    %cond3A = arith.constant 0 : i32
    %cond3A_2 = arith.cmpi ne, %convert_element_type3A, %cond3A : i32
    scf.if %cond3A_2 {
      %mul3A_3 = arith.constant 8 : i32
      %mul3A_4 = arith.muli %add3A, %mul3A_3 : i32
      "tpu.region"() ({
        %run_scoped3A = tpu.sem_alloc : memref<!tpu.dma_semaphore, #tpu.memory_space<semaphore_mem>>
        %dma_start3A_9 = tpu.memref_slice %arg2[%mul3A_4] : memref<64xi32, #tpu.memory_space<hbm>> -> memref<8xi32, #tpu.memory_space<hbm>>
        %dma_start3A_10 = tpu.memref_slice %arg2[%mul3A_4] : memref<64xi32, #tpu.memory_space<hbm>> -> memref<8xi32, #tpu.memory_space<hbm>>
        tpu.enqueue_dma source(%dma_start3A_10 : memref<8xi32, #tpu.memory_space<hbm>>) target(%arg5 : memref<8xi32, #tpu.memory_space<vmem>>) target_semaphore(%run_scoped3A : memref<!tpu.dma_semaphore, #tpu.memory_space<semaphore_mem>>)
        %dma_wait3A_11 = tpu.memref_slice %arg2[%mul3A_4] : memref<64xi32, #tpu.memory_space<hbm>> -> memref<8xi32, #tpu.memory_space<hbm>>
        %dma_wait3A_12 = tpu.memref_slice %arg2[%mul3A_4] : memref<64xi32, #tpu.memory_space<hbm>> -> memref<8xi32, #tpu.memory_space<hbm>>
        tpu.wait_dma2 semaphore(%run_scoped3A : memref<!tpu.dma_semaphore, #tpu.memory_space<semaphore_mem>>) src(%dma_wait3A_12 : memref<8xi32, #tpu.memory_space<hbm>>) dst(%arg5 : memref<8xi32, #tpu.memory_space<vmem>>)
        tpu.yield
      }) : () -> ()
      %dma_start3A = arith.constant 0 : i32
      %dma_start3A_5 = arith.constant 0 : i32
      %dma_start3A_6 = tpu.memref_slice %arg3[%dma_start3A, %dma_start3A_5] : memref<16x768xf32, #tpu.memory_space<hbm>> -> memref<16x768xf32, #tpu.memory_space<hbm>>
      tpu.enqueue_indirect_dma source(%dma_start3A_6 : memref<16x768xf32, #tpu.memory_space<hbm>>) target(%arg6 : memref<8x768xf32, #tpu.memory_space<vmem>>) offsets(%arg5 : memref<8xi32, #tpu.memory_space<vmem>>) semaphore(%arg7 : memref<!tpu.dma_semaphore, #tpu.memory_space<semaphore_mem>>)
      %dma_wait3A = arith.constant 0 : i32
      %dma_wait3A_7 = arith.constant 0 : i32
      %dma_wait3A_8 = tpu.memref_slice %arg3[%dma_wait3A, %dma_wait3A_7] : memref<16x768xf32, #tpu.memory_space<hbm>> -> memref<16x768xf32, #tpu.memory_space<hbm>>
      tpu.wait_indirect_dma semaphore(%arg7 : memref<!tpu.dma_semaphore, #tpu.memory_space<semaphore_mem>>) src(%dma_wait3A_8 : memref<16x768xf32, #tpu.memory_space<hbm>>) dst(%arg6 : memref<8x768xf32, #tpu.memory_space<vmem>>)
      "tpu.region"() ({
        %run_scoped3A = tpu.sem_alloc : memref<!tpu.dma_semaphore, #tpu.memory_space<semaphore_mem>>
        %dma_start3A_9 = arith.constant 0 : i32
        %dma_start3A_10 = tpu.memref_slice %arg4[%mul3A_4, %dma_start3A_9] : memref<64x768xf32, #tpu.memory_space<hbm>> -> memref<8x768xf32, #tpu.memory_space<hbm>>
        %dma_start3A_11 = arith.constant 0 : i32
        %dma_start3A_12 = tpu.memref_slice %arg4[%mul3A_4, %dma_start3A_11] : memref<64x768xf32, #tpu.memory_space<hbm>> -> memref<8x768xf32, #tpu.memory_space<hbm>>
        tpu.enqueue_dma source(%arg6 : memref<8x768xf32, #tpu.memory_space<vmem>>) target(%dma_start3A_12 : memref<8x768xf32, #tpu.memory_space<hbm>>) target_semaphore(%run_scoped3A : memref<!tpu.dma_semaphore, #tpu.memory_space<semaphore_mem>>)
        %dma_wait3A_13 = arith.constant 0 : i32
        %dma_wait3A_14 = tpu.memref_slice %arg4[%mul3A_4, %dma_wait3A_13] : memref<64x768xf32, #tpu.memory_space<hbm>> -> memref<8x768xf32, #tpu.memory_space<hbm>>
        %dma_wait3A_15 = arith.constant 0 : i32
        %dma_wait3A_16 = tpu.memref_slice %arg4[%mul3A_4, %dma_wait3A_15] : memref<64x768xf32, #tpu.memory_space<hbm>> -> memref<8x768xf32, #tpu.memory_space<hbm>>
        tpu.wait_dma2 semaphore(%run_scoped3A : memref<!tpu.dma_semaphore, #tpu.memory_space<semaphore_mem>>) src(%arg6 : memref<8x768xf32, #tpu.memory_space<vmem>>) dst(%dma_wait3A_16 : memref<8x768xf32, #tpu.memory_space<hbm>>)
        tpu.yield
      }) : () -> ()
    } else {
    }
    return
  }
}

module attributes {stable_mosaic.version = 14 : i64} {
  func.func @body(%arg0: i32, %arg1: memref<64x576x768xf32, #tpu.memory_space<any>>, %arg2: memref<64x768xf32, #tpu.memory_space<vmem>>, %arg3: memref<1x768xf32, #tpu.memory_space<vmem>>, %arg4: memref<64x576x768xf32, #tpu.memory_space<any>>, %arg5: memref<8x288x768xf32, #tpu.memory_space<vmem>>, %arg6: memref<8x288x768xf32, #tpu.memory_space<vmem>>, %arg7: memref<8x!tpu.dma_semaphore, #tpu.memory_space<semaphore_mem>>, %arg8: memref<8x!tpu.dma_semaphore, #tpu.memory_space<semaphore_mem>>) attributes {dimension_semantics = [#tpu.dimension_semantics<arbitrary>], iteration_bounds = array<i64: 1>, scalar_prefetch = 0 : i64, scratch_operands = 4 : i64, tpu.core_type = #tpu.core_type<tc>, window_params = [{}, {pipeline_mode = #tpu.pipeline_mode<synchronous>, transform_indices = @transform_1, window_bounds = array<i64: 64, 768>}, {pipeline_mode = #tpu.pipeline_mode<synchronous>, transform_indices = @transform_2, window_bounds = array<i64: 1, 768>}, {}]} {
    %rem3A = arith.constant 0 : i32
    %rem3A_0 = arith.constant 2 : i32
    %rem3A_1 = arith.remsi %rem3A, %rem3A_0 : i32
    %mul3A = arith.constant 288 : i32
    %mul3A_2 = arith.muli %rem3A_1, %mul3A : i32
    %dma_start3A = arith.constant 0 : i32
    %dma_start3A_3 = arith.constant 0 : i32
    %dma_start3A_4 = arith.constant 0 : i32
    %dma_start3A_5 = tpu.memref_slice %arg7[%dma_start3A_4] : memref<8x!tpu.dma_semaphore, #tpu.memory_space<semaphore_mem>> -> memref<1x!tpu.dma_semaphore, #tpu.memory_space<semaphore_mem>>
    %dma_start3A_6 = tpu.memref_squeeze %dma_start3A_5 : memref<1x!tpu.dma_semaphore, #tpu.memory_space<semaphore_mem>> -> memref<!tpu.dma_semaphore, #tpu.memory_space<semaphore_mem>>
    %dma_start3A_7 = arith.constant 0 : i32
    %dma_start3A_8 = arith.constant 0 : i32
    %dma_start3A_9 = tpu.memref_slice %arg5[%dma_start3A_3, %dma_start3A_7, %dma_start3A_8] : memref<8x288x768xf32, #tpu.memory_space<vmem>> -> memref<1x288x768xf32, #tpu.memory_space<vmem>>
    %dma_start3A_10 = tpu.memref_squeeze %dma_start3A_9 : memref<1x288x768xf32, #tpu.memory_space<vmem>> -> memref<288x768xf32, #tpu.memory_space<vmem>>
    %dma_start3A_11 = arith.constant 0 : i32
    %dma_start3A_12 = tpu.memref_slice %arg1[%dma_start3A, %mul3A_2, %dma_start3A_11] : memref<64x576x768xf32, #tpu.memory_space<any>> -> memref<1x288x768xf32, #tpu.memory_space<any>>
    %dma_start3A_13 = tpu.memref_squeeze %dma_start3A_12 : memref<1x288x768xf32, #tpu.memory_space<any>> -> memref<288x768xf32, #tpu.memory_space<any>>
    tpu.enqueue_dma source(%dma_start3A_13 : memref<288x768xf32, #tpu.memory_space<any>>) target(%dma_start3A_10 : memref<288x768xf32, #tpu.memory_space<vmem>>) target_semaphore(%dma_start3A_6 : memref<!tpu.dma_semaphore, #tpu.memory_space<semaphore_mem>>)
    %rem3A_14 = arith.constant 1 : i32
    %rem3A_15 = arith.constant 2 : i32
    %rem3A_16 = arith.remsi %rem3A_14, %rem3A_15 : i32
    %mul3A_17 = arith.constant 288 : i32
    %mul3A_18 = arith.muli %rem3A_16, %mul3A_17 : i32
    %dma_start3A_19 = arith.constant 0 : i32
    %dma_start3A_20 = arith.constant 1 : i32
    %dma_start3A_21 = arith.constant 1 : i32
    %dma_start3A_22 = tpu.memref_slice %arg7[%dma_start3A_21] : memref<8x!tpu.dma_semaphore, #tpu.memory_space<semaphore_mem>> -> memref<1x!tpu.dma_semaphore, #tpu.memory_space<semaphore_mem>>
    %dma_start3A_23 = tpu.memref_squeeze %dma_start3A_22 : memref<1x!tpu.dma_semaphore, #tpu.memory_space<semaphore_mem>> -> memref<!tpu.dma_semaphore, #tpu.memory_space<semaphore_mem>>
    %dma_start3A_24 = arith.constant 0 : i32
    %dma_start3A_25 = arith.constant 0 : i32
    %dma_start3A_26 = tpu.memref_slice %arg5[%dma_start3A_20, %dma_start3A_24, %dma_start3A_25] : memref<8x288x768xf32, #tpu.memory_space<vmem>> -> memref<1x288x768xf32, #tpu.memory_space<vmem>>
    %dma_start3A_27 = tpu.memref_squeeze %dma_start3A_26 : memref<1x288x768xf32, #tpu.memory_space<vmem>> -> memref<288x768xf32, #tpu.memory_space<vmem>>
    %dma_start3A_28 = arith.constant 0 : i32
    %dma_start3A_29 = tpu.memref_slice %arg1[%dma_start3A_19, %mul3A_18, %dma_start3A_28] : memref<64x576x768xf32, #tpu.memory_space<any>> -> memref<1x288x768xf32, #tpu.memory_space<any>>
    %dma_start3A_30 = tpu.memref_squeeze %dma_start3A_29 : memref<1x288x768xf32, #tpu.memory_space<any>> -> memref<288x768xf32, #tpu.memory_space<any>>
    tpu.enqueue_dma source(%dma_start3A_30 : memref<288x768xf32, #tpu.memory_space<any>>) target(%dma_start3A_27 : memref<288x768xf32, #tpu.memory_space<vmem>>) target_semaphore(%dma_start3A_23 : memref<!tpu.dma_semaphore, #tpu.memory_space<semaphore_mem>>)
    %rem3A_31 = arith.constant 2 : i32
    %rem3A_32 = arith.constant 2 : i32
    %rem3A_33 = arith.remsi %rem3A_31, %rem3A_32 : i32
    %mul3A_34 = arith.constant 288 : i32
    %mul3A_35 = arith.muli %rem3A_33, %mul3A_34 : i32
    %dma_start3A_36 = arith.constant 1 : i32
    %dma_start3A_37 = arith.constant 2 : i32
    %dma_start3A_38 = arith.constant 2 : i32
    %dma_start3A_39 = tpu.memref_slice %arg7[%dma_start3A_38] : memref<8x!tpu.dma_semaphore, #tpu.memory_space<semaphore_mem>> -> memref<1x!tpu.dma_semaphore, #tpu.memory_space<semaphore_mem>>
    %dma_start3A_40 = tpu.memref_squeeze %dma_start3A_39 : memref<1x!tpu.dma_semaphore, #tpu.memory_space<semaphore_mem>> -> memref<!tpu.dma_semaphore, #tpu.memory_space<semaphore_mem>>
    %dma_start3A_41 = arith.constant 0 : i32
    %dma_start3A_42 = arith.constant 0 : i32
    %dma_start3A_43 = tpu.memref_slice %arg5[%dma_start3A_37, %dma_start3A_41, %dma_start3A_42] : memref<8x288x768xf32, #tpu.memory_space<vmem>> -> memref<1x288x768xf32, #tpu.memory_space<vmem>>
    %dma_start3A_44 = tpu.memref_squeeze %dma_start3A_43 : memref<1x288x768xf32, #tpu.memory_space<vmem>> -> memref<288x768xf32, #tpu.memory_space<vmem>>
    %dma_start3A_45 = arith.constant 0 : i32
    %dma_start3A_46 = tpu.memref_slice %arg1[%dma_start3A_36, %mul3A_35, %dma_start3A_45] : memref<64x576x768xf32, #tpu.memory_space<any>> -> memref<1x288x768xf32, #tpu.memory_space<any>>
    %dma_start3A_47 = tpu.memref_squeeze %dma_start3A_46 : memref<1x288x768xf32, #tpu.memory_space<any>> -> memref<288x768xf32, #tpu.memory_space<any>>
    tpu.enqueue_dma source(%dma_start3A_47 : memref<288x768xf32, #tpu.memory_space<any>>) target(%dma_start3A_44 : memref<288x768xf32, #tpu.memory_space<vmem>>) target_semaphore(%dma_start3A_40 : memref<!tpu.dma_semaphore, #tpu.memory_space<semaphore_mem>>)
    %rem3A_48 = arith.constant 3 : i32
    %rem3A_49 = arith.constant 2 : i32
    %rem3A_50 = arith.remsi %rem3A_48, %rem3A_49 : i32
    %mul3A_51 = arith.constant 288 : i32
    %mul3A_52 = arith.muli %rem3A_50, %mul3A_51 : i32
    %dma_start3A_53 = arith.constant 1 : i32
    %dma_start3A_54 = arith.constant 3 : i32
    %dma_start3A_55 = arith.constant 3 : i32
    %dma_start3A_56 = tpu.memref_slice %arg7[%dma_start3A_55] : memref<8x!tpu.dma_semaphore, #tpu.memory_space<semaphore_mem>> -> memref<1x!tpu.dma_semaphore, #tpu.memory_space<semaphore_mem>>
    %dma_start3A_57 = tpu.memref_squeeze %dma_start3A_56 : memref<1x!tpu.dma_semaphore, #tpu.memory_space<semaphore_mem>> -> memref<!tpu.dma_semaphore, #tpu.memory_space<semaphore_mem>>
    %dma_start3A_58 = arith.constant 0 : i32
    %dma_start3A_59 = arith.constant 0 : i32
    %dma_start3A_60 = tpu.memref_slice %arg5[%dma_start3A_54, %dma_start3A_58, %dma_start3A_59] : memref<8x288x768xf32, #tpu.memory_space<vmem>> -> memref<1x288x768xf32, #tpu.memory_space<vmem>>
    %dma_start3A_61 = tpu.memref_squeeze %dma_start3A_60 : memref<1x288x768xf32, #tpu.memory_space<vmem>> -> memref<288x768xf32, #tpu.memory_space<vmem>>
    %dma_start3A_62 = arith.constant 0 : i32
    %dma_start3A_63 = tpu.memref_slice %arg1[%dma_start3A_53, %mul3A_52, %dma_start3A_62] : memref<64x576x768xf32, #tpu.memory_space<any>> -> memref<1x288x768xf32, #tpu.memory_space<any>>
    %dma_start3A_64 = tpu.memref_squeeze %dma_start3A_63 : memref<1x288x768xf32, #tpu.memory_space<any>> -> memref<288x768xf32, #tpu.memory_space<any>>
    tpu.enqueue_dma source(%dma_start3A_64 : memref<288x768xf32, #tpu.memory_space<any>>) target(%dma_start3A_61 : memref<288x768xf32, #tpu.memory_space<vmem>>) target_semaphore(%dma_start3A_57 : memref<!tpu.dma_semaphore, #tpu.memory_space<semaphore_mem>>)
    %rem3A_65 = arith.constant 4 : i32
    %rem3A_66 = arith.constant 2 : i32
    %rem3A_67 = arith.remsi %rem3A_65, %rem3A_66 : i32
    %mul3A_68 = arith.constant 288 : i32
    %mul3A_69 = arith.muli %rem3A_67, %mul3A_68 : i32
    %dma_start3A_70 = arith.constant 2 : i32
    %dma_start3A_71 = arith.constant 4 : i32
    %dma_start3A_72 = arith.constant 4 : i32
    %dma_start3A_73 = tpu.memref_slice %arg7[%dma_start3A_72] : memref<8x!tpu.dma_semaphore, #tpu.memory_space<semaphore_mem>> -> memref<1x!tpu.dma_semaphore, #tpu.memory_space<semaphore_mem>>
    %dma_start3A_74 = tpu.memref_squeeze %dma_start3A_73 : memref<1x!tpu.dma_semaphore, #tpu.memory_space<semaphore_mem>> -> memref<!tpu.dma_semaphore, #tpu.memory_space<semaphore_mem>>
    %dma_start3A_75 = arith.constant 0 : i32
    %dma_start3A_76 = arith.constant 0 : i32
    %dma_start3A_77 = tpu.memref_slice %arg5[%dma_start3A_71, %dma_start3A_75, %dma_start3A_76] : memref<8x288x768xf32, #tpu.memory_space<vmem>> -> memref<1x288x768xf32, #tpu.memory_space<vmem>>
    %dma_start3A_78 = tpu.memref_squeeze %dma_start3A_77 : memref<1x288x768xf32, #tpu.memory_space<vmem>> -> memref<288x768xf32, #tpu.memory_space<vmem>>
    %dma_start3A_79 = arith.constant 0 : i32
    %dma_start3A_80 = tpu.memref_slice %arg1[%dma_start3A_70, %mul3A_69, %dma_start3A_79] : memref<64x576x768xf32, #tpu.memory_space<any>> -> memref<1x288x768xf32, #tpu.memory_space<any>>
    %dma_start3A_81 = tpu.memref_squeeze %dma_start3A_80 : memref<1x288x768xf32, #tpu.memory_space<any>> -> memref<288x768xf32, #tpu.memory_space<any>>
    tpu.enqueue_dma source(%dma_start3A_81 : memref<288x768xf32, #tpu.memory_space<any>>) target(%dma_start3A_78 : memref<288x768xf32, #tpu.memory_space<vmem>>) target_semaphore(%dma_start3A_74 : memref<!tpu.dma_semaphore, #tpu.memory_space<semaphore_mem>>)
    %rem3A_82 = arith.constant 5 : i32
    %rem3A_83 = arith.constant 2 : i32
    %rem3A_84 = arith.remsi %rem3A_82, %rem3A_83 : i32
    %mul3A_85 = arith.constant 288 : i32
    %mul3A_86 = arith.muli %rem3A_84, %mul3A_85 : i32
    %dma_start3A_87 = arith.constant 2 : i32
    %dma_start3A_88 = arith.constant 5 : i32
    %dma_start3A_89 = arith.constant 5 : i32
    %dma_start3A_90 = tpu.memref_slice %arg7[%dma_start3A_89] : memref<8x!tpu.dma_semaphore, #tpu.memory_space<semaphore_mem>> -> memref<1x!tpu.dma_semaphore, #tpu.memory_space<semaphore_mem>>
    %dma_start3A_91 = tpu.memref_squeeze %dma_start3A_90 : memref<1x!tpu.dma_semaphore, #tpu.memory_space<semaphore_mem>> -> memref<!tpu.dma_semaphore, #tpu.memory_space<semaphore_mem>>
    %dma_start3A_92 = arith.constant 0 : i32
    %dma_start3A_93 = arith.constant 0 : i32
    %dma_start3A_94 = tpu.memref_slice %arg5[%dma_start3A_88, %dma_start3A_92, %dma_start3A_93] : memref<8x288x768xf32, #tpu.memory_space<vmem>> -> memref<1x288x768xf32, #tpu.memory_space<vmem>>
    %dma_start3A_95 = tpu.memref_squeeze %dma_start3A_94 : memref<1x288x768xf32, #tpu.memory_space<vmem>> -> memref<288x768xf32, #tpu.memory_space<vmem>>
    %dma_start3A_96 = arith.constant 0 : i32
    %dma_start3A_97 = tpu.memref_slice %arg1[%dma_start3A_87, %mul3A_86, %dma_start3A_96] : memref<64x576x768xf32, #tpu.memory_space<any>> -> memref<1x288x768xf32, #tpu.memory_space<any>>
    %dma_start3A_98 = tpu.memref_squeeze %dma_start3A_97 : memref<1x288x768xf32, #tpu.memory_space<any>> -> memref<288x768xf32, #tpu.memory_space<any>>
    tpu.enqueue_dma source(%dma_start3A_98 : memref<288x768xf32, #tpu.memory_space<any>>) target(%dma_start3A_95 : memref<288x768xf32, #tpu.memory_space<vmem>>) target_semaphore(%dma_start3A_91 : memref<!tpu.dma_semaphore, #tpu.memory_space<semaphore_mem>>)
    %rem3A_99 = arith.constant 6 : i32
    %rem3A_100 = arith.constant 2 : i32
    %rem3A_101 = arith.remsi %rem3A_99, %rem3A_100 : i32
    %mul3A_102 = arith.constant 288 : i32
    %mul3A_103 = arith.muli %rem3A_101, %mul3A_102 : i32
    %dma_start3A_104 = arith.constant 3 : i32
    %dma_start3A_105 = arith.constant 6 : i32
    %dma_start3A_106 = arith.constant 6 : i32
    %dma_start3A_107 = tpu.memref_slice %arg7[%dma_start3A_106] : memref<8x!tpu.dma_semaphore, #tpu.memory_space<semaphore_mem>> -> memref<1x!tpu.dma_semaphore, #tpu.memory_space<semaphore_mem>>
    %dma_start3A_108 = tpu.memref_squeeze %dma_start3A_107 : memref<1x!tpu.dma_semaphore, #tpu.memory_space<semaphore_mem>> -> memref<!tpu.dma_semaphore, #tpu.memory_space<semaphore_mem>>
    %dma_start3A_109 = arith.constant 0 : i32
    %dma_start3A_110 = arith.constant 0 : i32
    %dma_start3A_111 = tpu.memref_slice %arg5[%dma_start3A_105, %dma_start3A_109, %dma_start3A_110] : memref<8x288x768xf32, #tpu.memory_space<vmem>> -> memref<1x288x768xf32, #tpu.memory_space<vmem>>
    %dma_start3A_112 = tpu.memref_squeeze %dma_start3A_111 : memref<1x288x768xf32, #tpu.memory_space<vmem>> -> memref<288x768xf32, #tpu.memory_space<vmem>>
    %dma_start3A_113 = arith.constant 0 : i32
    %dma_start3A_114 = tpu.memref_slice %arg1[%dma_start3A_104, %mul3A_103, %dma_start3A_113] : memref<64x576x768xf32, #tpu.memory_space<any>> -> memref<1x288x768xf32, #tpu.memory_space<any>>
    %dma_start3A_115 = tpu.memref_squeeze %dma_start3A_114 : memref<1x288x768xf32, #tpu.memory_space<any>> -> memref<288x768xf32, #tpu.memory_space<any>>
    tpu.enqueue_dma source(%dma_start3A_115 : memref<288x768xf32, #tpu.memory_space<any>>) target(%dma_start3A_112 : memref<288x768xf32, #tpu.memory_space<vmem>>) target_semaphore(%dma_start3A_108 : memref<!tpu.dma_semaphore, #tpu.memory_space<semaphore_mem>>)
    %rem3A_116 = arith.constant 7 : i32
    %rem3A_117 = arith.constant 2 : i32
    %rem3A_118 = arith.remsi %rem3A_116, %rem3A_117 : i32
    %mul3A_119 = arith.constant 288 : i32
    %mul3A_120 = arith.muli %rem3A_118, %mul3A_119 : i32
    %dma_start3A_121 = arith.constant 3 : i32
    %dma_start3A_122 = arith.constant 7 : i32
    %dma_start3A_123 = arith.constant 7 : i32
    %dma_start3A_124 = tpu.memref_slice %arg7[%dma_start3A_123] : memref<8x!tpu.dma_semaphore, #tpu.memory_space<semaphore_mem>> -> memref<1x!tpu.dma_semaphore, #tpu.memory_space<semaphore_mem>>
    %dma_start3A_125 = tpu.memref_squeeze %dma_start3A_124 : memref<1x!tpu.dma_semaphore, #tpu.memory_space<semaphore_mem>> -> memref<!tpu.dma_semaphore, #tpu.memory_space<semaphore_mem>>
    %dma_start3A_126 = arith.constant 0 : i32
    %dma_start3A_127 = arith.constant 0 : i32
    %dma_start3A_128 = tpu.memref_slice %arg5[%dma_start3A_122, %dma_start3A_126, %dma_start3A_127] : memref<8x288x768xf32, #tpu.memory_space<vmem>> -> memref<1x288x768xf32, #tpu.memory_space<vmem>>
    %dma_start3A_129 = tpu.memref_squeeze %dma_start3A_128 : memref<1x288x768xf32, #tpu.memory_space<vmem>> -> memref<288x768xf32, #tpu.memory_space<vmem>>
    %dma_start3A_130 = arith.constant 0 : i32
    %dma_start3A_131 = tpu.memref_slice %arg1[%dma_start3A_121, %mul3A_120, %dma_start3A_130] : memref<64x576x768xf32, #tpu.memory_space<any>> -> memref<1x288x768xf32, #tpu.memory_space<any>>
    %dma_start3A_132 = tpu.memref_squeeze %dma_start3A_131 : memref<1x288x768xf32, #tpu.memory_space<any>> -> memref<288x768xf32, #tpu.memory_space<any>>
    tpu.enqueue_dma source(%dma_start3A_132 : memref<288x768xf32, #tpu.memory_space<any>>) target(%dma_start3A_129 : memref<288x768xf32, #tpu.memory_space<vmem>>) target_semaphore(%dma_start3A_125 : memref<!tpu.dma_semaphore, #tpu.memory_space<semaphore_mem>>)
    %scan3A = arith.constant 0 : i32
    %scan3A_133 = arith.constant 128 : i32
    %scan3A_134 = arith.addi %scan3A, %scan3A_133 : i32
    %scan3A_135 = arith.constant 1 : i32
    scf.for %scan3A_272 = %scan3A to %scan3A_134 step %scan3A_135  : i32 {
      %rem3A_273 = arith.constant 8 : i32
      %rem3A_274 = arith.remsi %scan3A_272, %rem3A_273 : i32
      %jit3A = arith.constant 2 : i32
      %div3A = arith.divsi %scan3A_272, %jit3A : i32
      %sign3A = arith.constant 0 : i32
      %sign3A_275 = arith.cmpi sgt, %scan3A_272, %sign3A : i32
      %sign3A_276 = arith.extui %sign3A_275 : i1 to i32
      %sign3A_277 = arith.constant 0 : i32
      %sign3A_278 = arith.cmpi slt, %scan3A_272, %sign3A_277 : i32
      %sign3A_279 = arith.extui %sign3A_278 : i1 to i32
      %sign3A_280 = arith.subi %sign3A_276, %sign3A_279 : i32
      %sign3A_281 = arith.constant 0 : i32
      %sign3A_282 = arith.cmpi sgt, %jit3A, %sign3A_281 : i32
      %sign3A_283 = arith.extui %sign3A_282 : i1 to i32
      %sign3A_284 = arith.constant 0 : i32
      %sign3A_285 = arith.cmpi slt, %jit3A, %sign3A_284 : i32
      %sign3A_286 = arith.extui %sign3A_285 : i1 to i32
      %sign3A_287 = arith.subi %sign3A_283, %sign3A_286 : i32
      %ne3A = arith.cmpi ne, %sign3A_280, %sign3A_287 : i32
      %rem3A_288 = arith.remsi %scan3A_272, %jit3A : i32
      %ne3A_289 = arith.constant 0 : i32
      %ne3A_290 = arith.cmpi ne, %rem3A_288, %ne3A_289 : i32
      %and3A = arith.andi %ne3A, %ne3A_290 : i1
      %sub3A = arith.constant 1 : i32
      %sub3A_291 = arith.subi %div3A, %sub3A : i32
      %select_n3A = arith.select %and3A, %sub3A_291, %div3A : i32
      %rem3A_292 = arith.constant 2 : i32
      %rem3A_293 = arith.remsi %scan3A_272, %rem3A_292 : i32
      %mul3A_294 = arith.constant 288 : i32
      %mul3A_295 = arith.muli %rem3A_293, %mul3A_294 : i32
      %dma_wait3A_296 = tpu.memref_slice %arg7[%rem3A_274] : memref<8x!tpu.dma_semaphore, #tpu.memory_space<semaphore_mem>> -> memref<1x!tpu.dma_semaphore, #tpu.memory_space<semaphore_mem>>
      %dma_wait3A_297 = tpu.memref_squeeze %dma_wait3A_296 : memref<1x!tpu.dma_semaphore, #tpu.memory_space<semaphore_mem>> -> memref<!tpu.dma_semaphore, #tpu.memory_space<semaphore_mem>>
      %dma_wait3A_298 = arith.constant 0 : i32
      %dma_wait3A_299 = arith.constant 0 : i32
      %dma_wait3A_300 = tpu.memref_slice %arg5[%rem3A_274, %dma_wait3A_298, %dma_wait3A_299] : memref<8x288x768xf32, #tpu.memory_space<vmem>> -> memref<1x288x768xf32, #tpu.memory_space<vmem>>
      %dma_wait3A_301 = tpu.memref_squeeze %dma_wait3A_300 : memref<1x288x768xf32, #tpu.memory_space<vmem>> -> memref<288x768xf32, #tpu.memory_space<vmem>>
      %dma_wait3A_302 = arith.constant 0 : i32
      %dma_wait3A_303 = tpu.memref_slice %arg1[%select_n3A, %mul3A_295, %dma_wait3A_302] : memref<64x576x768xf32, #tpu.memory_space<any>> -> memref<1x288x768xf32, #tpu.memory_space<any>>
      %dma_wait3A_304 = tpu.memref_squeeze %dma_wait3A_303 : memref<1x288x768xf32, #tpu.memory_space<any>> -> memref<288x768xf32, #tpu.memory_space<any>>
      tpu.wait_dma2 semaphore(%dma_wait3A_297 : memref<!tpu.dma_semaphore, #tpu.memory_space<semaphore_mem>>) src(%dma_wait3A_304 : memref<288x768xf32, #tpu.memory_space<any>>) dst(%dma_wait3A_301 : memref<288x768xf32, #tpu.memory_space<vmem>>)
      %ge3A = arith.constant 8 : i32
      %ge3A_305 = arith.cmpi sge, %scan3A_272, %ge3A : i32
      %convert_element_type3A = arith.extui %ge3A_305 : i1 to i32
      %cond3A = arith.constant 0 : i32
      %cond3A_306 = arith.cmpi ne, %convert_element_type3A, %cond3A : i32
      scf.if %cond3A_306 {
        %sub3A_407 = arith.constant 8 : i32
        %sub3A_408 = arith.subi %scan3A_272, %sub3A_407 : i32
        %jit3A_409 = arith.constant 2 : i32
        %div3A_410 = arith.divsi %sub3A_408, %jit3A_409 : i32
        %sign3A_411 = arith.constant 0 : i32
        %sign3A_412 = arith.cmpi sgt, %sub3A_408, %sign3A_411 : i32
        %sign3A_413 = arith.extui %sign3A_412 : i1 to i32
        %sign3A_414 = arith.constant 0 : i32
        %sign3A_415 = arith.cmpi slt, %sub3A_408, %sign3A_414 : i32
        %sign3A_416 = arith.extui %sign3A_415 : i1 to i32
        %sign3A_417 = arith.subi %sign3A_413, %sign3A_416 : i32
        %sign3A_418 = arith.constant 0 : i32
        %sign3A_419 = arith.cmpi sgt, %jit3A_409, %sign3A_418 : i32
        %sign3A_420 = arith.extui %sign3A_419 : i1 to i32
        %sign3A_421 = arith.constant 0 : i32
        %sign3A_422 = arith.cmpi slt, %jit3A_409, %sign3A_421 : i32
        %sign3A_423 = arith.extui %sign3A_422 : i1 to i32
        %sign3A_424 = arith.subi %sign3A_420, %sign3A_423 : i32
        %ne3A_425 = arith.cmpi ne, %sign3A_417, %sign3A_424 : i32
        %rem3A_426 = arith.remsi %sub3A_408, %jit3A_409 : i32
        %ne3A_427 = arith.constant 0 : i32
        %ne3A_428 = arith.cmpi ne, %rem3A_426, %ne3A_427 : i32
        %and3A_429 = arith.andi %ne3A_425, %ne3A_428 : i1
        %sub3A_430 = arith.constant 1 : i32
        %sub3A_431 = arith.subi %div3A_410, %sub3A_430 : i32
        %select_n3A_432 = arith.select %and3A_429, %sub3A_431, %div3A_410 : i32
        %rem3A_433 = arith.constant 2 : i32
        %rem3A_434 = arith.remsi %sub3A_408, %rem3A_433 : i32
        %mul3A_435 = arith.constant 288 : i32
        %mul3A_436 = arith.muli %rem3A_434, %mul3A_435 : i32
        %dma_wait3A_437 = tpu.memref_slice %arg8[%rem3A_274] : memref<8x!tpu.dma_semaphore, #tpu.memory_space<semaphore_mem>> -> memref<1x!tpu.dma_semaphore, #tpu.memory_space<semaphore_mem>>
        %dma_wait3A_438 = tpu.memref_squeeze %dma_wait3A_437 : memref<1x!tpu.dma_semaphore, #tpu.memory_space<semaphore_mem>> -> memref<!tpu.dma_semaphore, #tpu.memory_space<semaphore_mem>>
        %dma_wait3A_439 = arith.constant 0 : i32
        %dma_wait3A_440 = tpu.memref_slice %arg4[%select_n3A_432, %mul3A_436, %dma_wait3A_439] : memref<64x576x768xf32, #tpu.memory_space<any>> -> memref<1x288x768xf32, #tpu.memory_space<any>>
        %dma_wait3A_441 = tpu.memref_squeeze %dma_wait3A_440 : memref<1x288x768xf32, #tpu.memory_space<any>> -> memref<288x768xf32, #tpu.memory_space<any>>
        %dma_wait3A_442 = arith.constant 0 : i32
        %dma_wait3A_443 = arith.constant 0 : i32
        %dma_wait3A_444 = tpu.memref_slice %arg6[%rem3A_274, %dma_wait3A_442, %dma_wait3A_443] : memref<8x288x768xf32, #tpu.memory_space<vmem>> -> memref<1x288x768xf32, #tpu.memory_space<vmem>>
        %dma_wait3A_445 = tpu.memref_squeeze %dma_wait3A_444 : memref<1x288x768xf32, #tpu.memory_space<vmem>> -> memref<288x768xf32, #tpu.memory_space<vmem>>
        tpu.wait_dma2 semaphore(%dma_wait3A_438 : memref<!tpu.dma_semaphore, #tpu.memory_space<semaphore_mem>>) src(%dma_wait3A_445 : memref<288x768xf32, #tpu.memory_space<vmem>>) dst(%dma_wait3A_441 : memref<288x768xf32, #tpu.memory_space<any>>)
      } else {
      }
      %jit3A_307 = arith.constant 2 : i32
      %div3A_308 = arith.divsi %scan3A_272, %jit3A_307 : i32
      %sign3A_309 = arith.constant 0 : i32
      %sign3A_310 = arith.cmpi sgt, %scan3A_272, %sign3A_309 : i32
      %sign3A_311 = arith.extui %sign3A_310 : i1 to i32
      %sign3A_312 = arith.constant 0 : i32
      %sign3A_313 = arith.cmpi slt, %scan3A_272, %sign3A_312 : i32
      %sign3A_314 = arith.extui %sign3A_313 : i1 to i32
      %sign3A_315 = arith.subi %sign3A_311, %sign3A_314 : i32
      %sign3A_316 = arith.constant 0 : i32
      %sign3A_317 = arith.cmpi sgt, %jit3A_307, %sign3A_316 : i32
      %sign3A_318 = arith.extui %sign3A_317 : i1 to i32
      %sign3A_319 = arith.constant 0 : i32
      %sign3A_320 = arith.cmpi slt, %jit3A_307, %sign3A_319 : i32
      %sign3A_321 = arith.extui %sign3A_320 : i1 to i32
      %sign3A_322 = arith.subi %sign3A_318, %sign3A_321 : i32
      %ne3A_323 = arith.cmpi ne, %sign3A_315, %sign3A_322 : i32
      %rem3A_324 = arith.remsi %scan3A_272, %jit3A_307 : i32
      %ne3A_325 = arith.constant 0 : i32
      %ne3A_326 = arith.cmpi ne, %rem3A_324, %ne3A_325 : i32
      %and3A_327 = arith.andi %ne3A_323, %ne3A_326 : i1
      %sub3A_328 = arith.constant 1 : i32
      %sub3A_329 = arith.subi %div3A_308, %sub3A_328 : i32
      %select_n3A_330 = arith.select %and3A_327, %sub3A_329, %div3A_308 : i32
      %get3A = arith.index_cast %select_n3A_330 : i32 to index
      %get3A_331 = arith.constant 0 : index
      %get3A_332 = vector.load %arg2[%get3A, %get3A_331] : memref<64x768xf32, #tpu.memory_space<vmem>>, vector<1x768xf32>
      %get3A_333 = vector.shape_cast %get3A_332 : vector<1x768xf32> to vector<768xf32>
      %get3A_334 = arith.index_cast %rem3A_274 : i32 to index
      %get3A_335 = arith.constant 0 : index
      %get3A_336 = arith.constant 0 : index
      %get3A_337 = vector.load %arg5[%get3A_334, %get3A_335, %get3A_336] : memref<8x288x768xf32, #tpu.memory_space<vmem>>, vector<1x288x768xf32>
      %get3A_338 = vector.shape_cast %get3A_337 : vector<1x288x768xf32> to vector<288x768xf32>
      %broadcast_in_dim3A = vector.shape_cast %get3A_333 : vector<768xf32> to vector<1x768xf32>
      %add3A = vector.broadcast %broadcast_in_dim3A : vector<1x768xf32> to vector<288x768xf32>
      %add3A_339 = arith.addf %get3A_338, %add3A : vector<288x768xf32>
      %mul3A_340 = arith.mulf %add3A_339, %add3A_339 : vector<288x768xf32>
      %reduce_sum3A = arith.constant dense<0.000000e+00> : vector<288xf32>
      %reduce_sum3A_341 = vector.multi_reduction <add>, %mul3A_340, %reduce_sum3A [1] : vector<288x768xf32> to vector<288xf32>
      %broadcast_in_dim3A_342 = vector.shape_cast %reduce_sum3A_341 : vector<288xf32> to vector<288x1xf32>
      %sqrt3A = math.sqrt %broadcast_in_dim3A_342 : vector<288x1xf32>
      %mul3A_343 = arith.constant 0.0360843912 : f32
      %mul3A_344 = vector.broadcast %mul3A_343 : f32 to vector<288x1xf32>
      %mul3A_345 = arith.mulf %sqrt3A, %mul3A_344 : vector<288x1xf32>
      %add3A_346 = arith.constant 9.99999993E-9 : f32
      %add3A_347 = vector.broadcast %add3A_346 : f32 to vector<288x1xf32>
      %add3A_348 = arith.addf %mul3A_345, %add3A_347 : vector<288x1xf32>
      %div3A_349 = arith.constant 1.000000e+00 : f32
      %div3A_350 = vector.broadcast %div3A_349 : f32 to vector<288x1xf32>
      %div3A_351 = arith.divf %div3A_350, %add3A_348 : vector<288x1xf32>
      %get3A_352 = arith.constant 0 : index
      %get3A_353 = arith.constant 0 : index
      %get3A_354 = vector.load %arg3[%get3A_352, %get3A_353] : memref<1x768xf32, #tpu.memory_space<vmem>>, vector<1x768xf32>
      %mul3A_355 = vector.broadcast %div3A_351 : vector<288x1xf32> to vector<288x768xf32>
      %mul3A_356 = vector.broadcast %get3A_354 : vector<1x768xf32> to vector<288x768xf32>
      %mul3A_357 = arith.mulf %mul3A_355, %mul3A_356 : vector<288x768xf32>
      %mul3A_358 = arith.mulf %add3A_339, %mul3A_357 : vector<288x768xf32>
      %swap3A = arith.index_cast %rem3A_274 : i32 to index
      %swap3A_359 = arith.constant 0 : index
      %swap3A_360 = arith.constant 0 : index
      %swap3A_361 = vector.load %arg6[%swap3A, %swap3A_359, %swap3A_360] : memref<8x288x768xf32, #tpu.memory_space<vmem>>, vector<1x288x768xf32>
      %swap3A_362 = vector.shape_cast %swap3A_361 : vector<1x288x768xf32> to vector<288x768xf32>
      %swap3A_363 = vector.shape_cast %mul3A_358 : vector<288x768xf32> to vector<1x288x768xf32>
      tpu.vector_store %arg6[%swap3A, %swap3A_359, %swap3A_360], %swap3A_363 {strides = array<i32>} : memref<8x288x768xf32, #tpu.memory_space<vmem>>, vector<1x288x768xf32>,
      %jit3A_364 = arith.constant 2 : i32
      %div3A_365 = arith.divsi %scan3A_272, %jit3A_364 : i32
      %sign3A_366 = arith.constant 0 : i32
      %sign3A_367 = arith.cmpi sgt, %scan3A_272, %sign3A_366 : i32
      %sign3A_368 = arith.extui %sign3A_367 : i1 to i32
      %sign3A_369 = arith.constant 0 : i32
      %sign3A_370 = arith.cmpi slt, %scan3A_272, %sign3A_369 : i32
      %sign3A_371 = arith.extui %sign3A_370 : i1 to i32
      %sign3A_372 = arith.subi %sign3A_368, %sign3A_371 : i32
      %sign3A_373 = arith.constant 0 : i32
      %sign3A_374 = arith.cmpi sgt, %jit3A_364, %sign3A_373 : i32
      %sign3A_375 = arith.extui %sign3A_374 : i1 to i32
      %sign3A_376 = arith.constant 0 : i32
      %sign3A_377 = arith.cmpi slt, %jit3A_364, %sign3A_376 : i32
      %sign3A_378 = arith.extui %sign3A_377 : i1 to i32
      %sign3A_379 = arith.subi %sign3A_375, %sign3A_378 : i32
      %ne3A_380 = arith.cmpi ne, %sign3A_372, %sign3A_379 : i32
      %rem3A_381 = arith.remsi %scan3A_272, %jit3A_364 : i32
      %ne3A_382 = arith.constant 0 : i32
      %ne3A_383 = arith.cmpi ne, %rem3A_381, %ne3A_382 : i32
      %and3A_384 = arith.andi %ne3A_380, %ne3A_383 : i1
      %sub3A_385 = arith.constant 1 : i32
      %sub3A_386 = arith.subi %div3A_365, %sub3A_385 : i32
      %select_n3A_387 = arith.select %and3A_384, %sub3A_386, %div3A_365 : i32
      %rem3A_388 = arith.constant 2 : i32
      %rem3A_389 = arith.remsi %scan3A_272, %rem3A_388 : i32
      %mul3A_390 = arith.constant 288 : i32
      %mul3A_391 = arith.muli %rem3A_389, %mul3A_390 : i32
      %dma_start3A_392 = tpu.memref_slice %arg8[%rem3A_274] : memref<8x!tpu.dma_semaphore, #tpu.memory_space<semaphore_mem>> -> memref<1x!tpu.dma_semaphore, #tpu.memory_space<semaphore_mem>>
      %dma_start3A_393 = tpu.memref_squeeze %dma_start3A_392 : memref<1x!tpu.dma_semaphore, #tpu.memory_space<semaphore_mem>> -> memref<!tpu.dma_semaphore, #tpu.memory_space<semaphore_mem>>
      %dma_start3A_394 = arith.constant 0 : i32
      %dma_start3A_395 = tpu.memref_slice %arg4[%select_n3A_387, %mul3A_391, %dma_start3A_394] : memref<64x576x768xf32, #tpu.memory_space<any>> -> memref<1x288x768xf32, #tpu.memory_space<any>>
      %dma_start3A_396 = tpu.memref_squeeze %dma_start3A_395 : memref<1x288x768xf32, #tpu.memory_space<any>> -> memref<288x768xf32, #tpu.memory_space<any>>
      %dma_start3A_397 = arith.constant 0 : i32
      %dma_start3A_398 = arith.constant 0 : i32
      %dma_start3A_399 = tpu.memref_slice %arg6[%rem3A_274, %dma_start3A_397, %dma_start3A_398] : memref<8x288x768xf32, #tpu.memory_space<vmem>> -> memref<1x288x768xf32, #tpu.memory_space<vmem>>
      %dma_start3A_400 = tpu.memref_squeeze %dma_start3A_399 : memref<1x288x768xf32, #tpu.memory_space<vmem>> -> memref<288x768xf32, #tpu.memory_space<vmem>>
      tpu.enqueue_dma source(%dma_start3A_400 : memref<288x768xf32, #tpu.memory_space<vmem>>) target(%dma_start3A_396 : memref<288x768xf32, #tpu.memory_space<any>>) target_semaphore(%dma_start3A_393 : memref<!tpu.dma_semaphore, #tpu.memory_space<semaphore_mem>>)
      %add3A_401 = arith.constant 8 : i32
      %add3A_402 = arith.addi %scan3A_272, %add3A_401 : i32
      %lt3A = arith.constant 128 : i32
      %lt3A_403 = arith.cmpi slt, %add3A_402, %lt3A : i32
      %convert_element_type3A_404 = arith.extui %lt3A_403 : i1 to i32
      %cond3A_405 = arith.constant 0 : i32
      %cond3A_406 = arith.cmpi ne, %convert_element_type3A_404, %cond3A_405 : i32
      scf.if %cond3A_406 {
        %add3A_407 = arith.constant 8 : i32
        %add3A_408 = arith.addi %scan3A_272, %add3A_407 : i32
        %jit3A_409 = arith.constant 2 : i32
        %div3A_410 = arith.divsi %add3A_408, %jit3A_409 : i32
        %sign3A_411 = arith.constant 0 : i32
        %sign3A_412 = arith.cmpi sgt, %add3A_408, %sign3A_411 : i32
        %sign3A_413 = arith.extui %sign3A_412 : i1 to i32
        %sign3A_414 = arith.constant 0 : i32
        %sign3A_415 = arith.cmpi slt, %add3A_408, %sign3A_414 : i32
        %sign3A_416 = arith.extui %sign3A_415 : i1 to i32
        %sign3A_417 = arith.subi %sign3A_413, %sign3A_416 : i32
        %sign3A_418 = arith.constant 0 : i32
        %sign3A_419 = arith.cmpi sgt, %jit3A_409, %sign3A_418 : i32
        %sign3A_420 = arith.extui %sign3A_419 : i1 to i32
        %sign3A_421 = arith.constant 0 : i32
        %sign3A_422 = arith.cmpi slt, %jit3A_409, %sign3A_421 : i32
        %sign3A_423 = arith.extui %sign3A_422 : i1 to i32
        %sign3A_424 = arith.subi %sign3A_420, %sign3A_423 : i32
        %ne3A_425 = arith.cmpi ne, %sign3A_417, %sign3A_424 : i32
        %rem3A_426 = arith.remsi %add3A_408, %jit3A_409 : i32
        %ne3A_427 = arith.constant 0 : i32
        %ne3A_428 = arith.cmpi ne, %rem3A_426, %ne3A_427 : i32
        %and3A_429 = arith.andi %ne3A_425, %ne3A_428 : i1
        %sub3A_430 = arith.constant 1 : i32
        %sub3A_431 = arith.subi %div3A_410, %sub3A_430 : i32
        %select_n3A_432 = arith.select %and3A_429, %sub3A_431, %div3A_410 : i32
        %rem3A_433 = arith.constant 2 : i32
        %rem3A_434 = arith.remsi %add3A_408, %rem3A_433 : i32
        %mul3A_435 = arith.constant 288 : i32
        %mul3A_436 = arith.muli %rem3A_434, %mul3A_435 : i32
        %dma_start3A_437 = tpu.memref_slice %arg7[%rem3A_274] : memref<8x!tpu.dma_semaphore, #tpu.memory_space<semaphore_mem>> -> memref<1x!tpu.dma_semaphore, #tpu.memory_space<semaphore_mem>>
        %dma_start3A_438 = tpu.memref_squeeze %dma_start3A_437 : memref<1x!tpu.dma_semaphore, #tpu.memory_space<semaphore_mem>> -> memref<!tpu.dma_semaphore, #tpu.memory_space<semaphore_mem>>
        %dma_start3A_439 = arith.constant 0 : i32
        %dma_start3A_440 = arith.constant 0 : i32
        %dma_start3A_441 = tpu.memref_slice %arg5[%rem3A_274, %dma_start3A_439, %dma_start3A_440] : memref<8x288x768xf32, #tpu.memory_space<vmem>> -> memref<1x288x768xf32, #tpu.memory_space<vmem>>
        %dma_start3A_442 = tpu.memref_squeeze %dma_start3A_441 : memref<1x288x768xf32, #tpu.memory_space<vmem>> -> memref<288x768xf32, #tpu.memory_space<vmem>>
        %dma_start3A_443 = arith.constant 0 : i32
        %dma_start3A_444 = tpu.memref_slice %arg1[%select_n3A_432, %mul3A_436, %dma_start3A_443] : memref<64x576x768xf32, #tpu.memory_space<any>> -> memref<1x288x768xf32, #tpu.memory_space<any>>
        %dma_start3A_445 = tpu.memref_squeeze %dma_start3A_444 : memref<1x288x768xf32, #tpu.memory_space<any>> -> memref<288x768xf32, #tpu.memory_space<any>>
        tpu.enqueue_dma source(%dma_start3A_445 : memref<288x768xf32, #tpu.memory_space<any>>) target(%dma_start3A_442 : memref<288x768xf32, #tpu.memory_space<vmem>>) target_semaphore(%dma_start3A_438 : memref<!tpu.dma_semaphore, #tpu.memory_space<semaphore_mem>>)
      } else {
      }
    }
    %scan3A_136 = arith.constant 128 : i32
    %rem3A_137 = arith.constant 120 : i32
    %rem3A_138 = arith.constant 2 : i32
    %rem3A_139 = arith.remsi %rem3A_137, %rem3A_138 : i32
    %mul3A_140 = arith.constant 288 : i32
    %mul3A_141 = arith.muli %rem3A_139, %mul3A_140 : i32
    %dma_wait3A = arith.constant 0 : i32
    %dma_wait3A_142 = arith.constant 60 : i32
    %dma_wait3A_143 = arith.constant 0 : i32
    %dma_wait3A_144 = tpu.memref_slice %arg8[%dma_wait3A_143] : memref<8x!tpu.dma_semaphore, #tpu.memory_space<semaphore_mem>> -> memref<1x!tpu.dma_semaphore, #tpu.memory_space<semaphore_mem>>
    %dma_wait3A_145 = tpu.memref_squeeze %dma_wait3A_144 : memref<1x!tpu.dma_semaphore, #tpu.memory_space<semaphore_mem>> -> memref<!tpu.dma_semaphore, #tpu.memory_space<semaphore_mem>>
    %dma_wait3A_146 = arith.constant 0 : i32
    %dma_wait3A_147 = tpu.memref_slice %arg4[%dma_wait3A_142, %mul3A_141, %dma_wait3A_146] : memref<64x576x768xf32, #tpu.memory_space<any>> -> memref<1x288x768xf32, #tpu.memory_space<any>>
    %dma_wait3A_148 = tpu.memref_squeeze %dma_wait3A_147 : memref<1x288x768xf32, #tpu.memory_space<any>> -> memref<288x768xf32, #tpu.memory_space<any>>
    %dma_wait3A_149 = arith.constant 0 : i32
    %dma_wait3A_150 = arith.constant 0 : i32
    %dma_wait3A_151 = tpu.memref_slice %arg6[%dma_wait3A, %dma_wait3A_149, %dma_wait3A_150] : memref<8x288x768xf32, #tpu.memory_space<vmem>> -> memref<1x288x768xf32, #tpu.memory_space<vmem>>
    %dma_wait3A_152 = tpu.memref_squeeze %dma_wait3A_151 : memref<1x288x768xf32, #tpu.memory_space<vmem>> -> memref<288x768xf32, #tpu.memory_space<vmem>>
    tpu.wait_dma2 semaphore(%dma_wait3A_145 : memref<!tpu.dma_semaphore, #tpu.memory_space<semaphore_mem>>) src(%dma_wait3A_152 : memref<288x768xf32, #tpu.memory_space<vmem>>) dst(%dma_wait3A_148 : memref<288x768xf32, #tpu.memory_space<any>>)
    %rem3A_153 = arith.constant 121 : i32
    %rem3A_154 = arith.constant 2 : i32
    %rem3A_155 = arith.remsi %rem3A_153, %rem3A_154 : i32
    %mul3A_156 = arith.constant 288 : i32
    %mul3A_157 = arith.muli %rem3A_155, %mul3A_156 : i32
    %dma_wait3A_158 = arith.constant 1 : i32
    %dma_wait3A_159 = arith.constant 60 : i32
    %dma_wait3A_160 = arith.constant 1 : i32
    %dma_wait3A_161 = tpu.memref_slice %arg8[%dma_wait3A_160] : memref<8x!tpu.dma_semaphore, #tpu.memory_space<semaphore_mem>> -> memref<1x!tpu.dma_semaphore, #tpu.memory_space<semaphore_mem>>
    %dma_wait3A_162 = tpu.memref_squeeze %dma_wait3A_161 : memref<1x!tpu.dma_semaphore, #tpu.memory_space<semaphore_mem>> -> memref<!tpu.dma_semaphore, #tpu.memory_space<semaphore_mem>>
    %dma_wait3A_163 = arith.constant 0 : i32
    %dma_wait3A_164 = tpu.memref_slice %arg4[%dma_wait3A_159, %mul3A_157, %dma_wait3A_163] : memref<64x576x768xf32, #tpu.memory_space<any>> -> memref<1x288x768xf32, #tpu.memory_space<any>>
    %dma_wait3A_165 = tpu.memref_squeeze %dma_wait3A_164 : memref<1x288x768xf32, #tpu.memory_space<any>> -> memref<288x768xf32, #tpu.memory_space<any>>
    %dma_wait3A_166 = arith.constant 0 : i32
    %dma_wait3A_167 = arith.constant 0 : i32
    %dma_wait3A_168 = tpu.memref_slice %arg6[%dma_wait3A_158, %dma_wait3A_166, %dma_wait3A_167] : memref<8x288x768xf32, #tpu.memory_space<vmem>> -> memref<1x288x768xf32, #tpu.memory_space<vmem>>
    %dma_wait3A_169 = tpu.memref_squeeze %dma_wait3A_168 : memref<1x288x768xf32, #tpu.memory_space<vmem>> -> memref<288x768xf32, #tpu.memory_space<vmem>>
    tpu.wait_dma2 semaphore(%dma_wait3A_162 : memref<!tpu.dma_semaphore, #tpu.memory_space<semaphore_mem>>) src(%dma_wait3A_169 : memref<288x768xf32, #tpu.memory_space<vmem>>) dst(%dma_wait3A_165 : memref<288x768xf32, #tpu.memory_space<any>>)
    %rem3A_170 = arith.constant 122 : i32
    %rem3A_171 = arith.constant 2 : i32
    %rem3A_172 = arith.remsi %rem3A_170, %rem3A_171 : i32
    %mul3A_173 = arith.constant 288 : i32
    %mul3A_174 = arith.muli %rem3A_172, %mul3A_173 : i32
    %dma_wait3A_175 = arith.constant 2 : i32
    %dma_wait3A_176 = arith.constant 61 : i32
    %dma_wait3A_177 = arith.constant 2 : i32
    %dma_wait3A_178 = tpu.memref_slice %arg8[%dma_wait3A_177] : memref<8x!tpu.dma_semaphore, #tpu.memory_space<semaphore_mem>> -> memref<1x!tpu.dma_semaphore, #tpu.memory_space<semaphore_mem>>
    %dma_wait3A_179 = tpu.memref_squeeze %dma_wait3A_178 : memref<1x!tpu.dma_semaphore, #tpu.memory_space<semaphore_mem>> -> memref<!tpu.dma_semaphore, #tpu.memory_space<semaphore_mem>>
    %dma_wait3A_180 = arith.constant 0 : i32
    %dma_wait3A_181 = tpu.memref_slice %arg4[%dma_wait3A_176, %mul3A_174, %dma_wait3A_180] : memref<64x576x768xf32, #tpu.memory_space<any>> -> memref<1x288x768xf32, #tpu.memory_space<any>>
    %dma_wait3A_182 = tpu.memref_squeeze %dma_wait3A_181 : memref<1x288x768xf32, #tpu.memory_space<any>> -> memref<288x768xf32, #tpu.memory_space<any>>
    %dma_wait3A_183 = arith.constant 0 : i32
    %dma_wait3A_184 = arith.constant 0 : i32
    %dma_wait3A_185 = tpu.memref_slice %arg6[%dma_wait3A_175, %dma_wait3A_183, %dma_wait3A_184] : memref<8x288x768xf32, #tpu.memory_space<vmem>> -> memref<1x288x768xf32, #tpu.memory_space<vmem>>
    %dma_wait3A_186 = tpu.memref_squeeze %dma_wait3A_185 : memref<1x288x768xf32, #tpu.memory_space<vmem>> -> memref<288x768xf32, #tpu.memory_space<vmem>>
    tpu.wait_dma2 semaphore(%dma_wait3A_179 : memref<!tpu.dma_semaphore, #tpu.memory_space<semaphore_mem>>) src(%dma_wait3A_186 : memref<288x768xf32, #tpu.memory_space<vmem>>) dst(%dma_wait3A_182 : memref<288x768xf32, #tpu.memory_space<any>>)
    %rem3A_187 = arith.constant 123 : i32
    %rem3A_188 = arith.constant 2 : i32
    %rem3A_189 = arith.remsi %rem3A_187, %rem3A_188 : i32
    %mul3A_190 = arith.constant 288 : i32
    %mul3A_191 = arith.muli %rem3A_189, %mul3A_190 : i32
    %dma_wait3A_192 = arith.constant 3 : i32
    %dma_wait3A_193 = arith.constant 61 : i32
    %dma_wait3A_194 = arith.constant 3 : i32
    %dma_wait3A_195 = tpu.memref_slice %arg8[%dma_wait3A_194] : memref<8x!tpu.dma_semaphore, #tpu.memory_space<semaphore_mem>> -> memref<1x!tpu.dma_semaphore, #tpu.memory_space<semaphore_mem>>
    %dma_wait3A_196 = tpu.memref_squeeze %dma_wait3A_195 : memref<1x!tpu.dma_semaphore, #tpu.memory_space<semaphore_mem>> -> memref<!tpu.dma_semaphore, #tpu.memory_space<semaphore_mem>>
    %dma_wait3A_197 = arith.constant 0 : i32
    %dma_wait3A_198 = tpu.memref_slice %arg4[%dma_wait3A_193, %mul3A_191, %dma_wait3A_197] : memref<64x576x768xf32, #tpu.memory_space<any>> -> memref<1x288x768xf32, #tpu.memory_space<any>>
    %dma_wait3A_199 = tpu.memref_squeeze %dma_wait3A_198 : memref<1x288x768xf32, #tpu.memory_space<any>> -> memref<288x768xf32, #tpu.memory_space<any>>
    %dma_wait3A_200 = arith.constant 0 : i32
    %dma_wait3A_201 = arith.constant 0 : i32
    %dma_wait3A_202 = tpu.memref_slice %arg6[%dma_wait3A_192, %dma_wait3A_200, %dma_wait3A_201] : memref<8x288x768xf32, #tpu.memory_space<vmem>> -> memref<1x288x768xf32, #tpu.memory_space<vmem>>
    %dma_wait3A_203 = tpu.memref_squeeze %dma_wait3A_202 : memref<1x288x768xf32, #tpu.memory_space<vmem>> -> memref<288x768xf32, #tpu.memory_space<vmem>>
    tpu.wait_dma2 semaphore(%dma_wait3A_196 : memref<!tpu.dma_semaphore, #tpu.memory_space<semaphore_mem>>) src(%dma_wait3A_203 : memref<288x768xf32, #tpu.memory_space<vmem>>) dst(%dma_wait3A_199 : memref<288x768xf32, #tpu.memory_space<any>>)
    %rem3A_204 = arith.constant 124 : i32
    %rem3A_205 = arith.constant 2 : i32
    %rem3A_206 = arith.remsi %rem3A_204, %rem3A_205 : i32
    %mul3A_207 = arith.constant 288 : i32
    %mul3A_208 = arith.muli %rem3A_206, %mul3A_207 : i32
    %dma_wait3A_209 = arith.constant 4 : i32
    %dma_wait3A_210 = arith.constant 62 : i32
    %dma_wait3A_211 = arith.constant 4 : i32
    %dma_wait3A_212 = tpu.memref_slice %arg8[%dma_wait3A_211] : memref<8x!tpu.dma_semaphore, #tpu.memory_space<semaphore_mem>> -> memref<1x!tpu.dma_semaphore, #tpu.memory_space<semaphore_mem>>
    %dma_wait3A_213 = tpu.memref_squeeze %dma_wait3A_212 : memref<1x!tpu.dma_semaphore, #tpu.memory_space<semaphore_mem>> -> memref<!tpu.dma_semaphore, #tpu.memory_space<semaphore_mem>>
    %dma_wait3A_214 = arith.constant 0 : i32
    %dma_wait3A_215 = tpu.memref_slice %arg4[%dma_wait3A_210, %mul3A_208, %dma_wait3A_214] : memref<64x576x768xf32, #tpu.memory_space<any>> -> memref<1x288x768xf32, #tpu.memory_space<any>>
    %dma_wait3A_216 = tpu.memref_squeeze %dma_wait3A_215 : memref<1x288x768xf32, #tpu.memory_space<any>> -> memref<288x768xf32, #tpu.memory_space<any>>
    %dma_wait3A_217 = arith.constant 0 : i32
    %dma_wait3A_218 = arith.constant 0 : i32
    %dma_wait3A_219 = tpu.memref_slice %arg6[%dma_wait3A_209, %dma_wait3A_217, %dma_wait3A_218] : memref<8x288x768xf32, #tpu.memory_space<vmem>> -> memref<1x288x768xf32, #tpu.memory_space<vmem>>
    %dma_wait3A_220 = tpu.memref_squeeze %dma_wait3A_219 : memref<1x288x768xf32, #tpu.memory_space<vmem>> -> memref<288x768xf32, #tpu.memory_space<vmem>>
    tpu.wait_dma2 semaphore(%dma_wait3A_213 : memref<!tpu.dma_semaphore, #tpu.memory_space<semaphore_mem>>) src(%dma_wait3A_220 : memref<288x768xf32, #tpu.memory_space<vmem>>) dst(%dma_wait3A_216 : memref<288x768xf32, #tpu.memory_space<any>>)
    %rem3A_221 = arith.constant 125 : i32
    %rem3A_222 = arith.constant 2 : i32
    %rem3A_223 = arith.remsi %rem3A_221, %rem3A_222 : i32
    %mul3A_224 = arith.constant 288 : i32
    %mul3A_225 = arith.muli %rem3A_223, %mul3A_224 : i32
    %dma_wait3A_226 = arith.constant 5 : i32
    %dma_wait3A_227 = arith.constant 62 : i32
    %dma_wait3A_228 = arith.constant 5 : i32
    %dma_wait3A_229 = tpu.memref_slice %arg8[%dma_wait3A_228] : memref<8x!tpu.dma_semaphore, #tpu.memory_space<semaphore_mem>> -> memref<1x!tpu.dma_semaphore, #tpu.memory_space<semaphore_mem>>
    %dma_wait3A_230 = tpu.memref_squeeze %dma_wait3A_229 : memref<1x!tpu.dma_semaphore, #tpu.memory_space<semaphore_mem>> -> memref<!tpu.dma_semaphore, #tpu.memory_space<semaphore_mem>>
    %dma_wait3A_231 = arith.constant 0 : i32
    %dma_wait3A_232 = tpu.memref_slice %arg4[%dma_wait3A_227, %mul3A_225, %dma_wait3A_231] : memref<64x576x768xf32, #tpu.memory_space<any>> -> memref<1x288x768xf32, #tpu.memory_space<any>>
    %dma_wait3A_233 = tpu.memref_squeeze %dma_wait3A_232 : memref<1x288x768xf32, #tpu.memory_space<any>> -> memref<288x768xf32, #tpu.memory_space<any>>
    %dma_wait3A_234 = arith.constant 0 : i32
    %dma_wait3A_235 = arith.constant 0 : i32
    %dma_wait3A_236 = tpu.memref_slice %arg6[%dma_wait3A_226, %dma_wait3A_234, %dma_wait3A_235] : memref<8x288x768xf32, #tpu.memory_space<vmem>> -> memref<1x288x768xf32, #tpu.memory_space<vmem>>
    %dma_wait3A_237 = tpu.memref_squeeze %dma_wait3A_236 : memref<1x288x768xf32, #tpu.memory_space<vmem>> -> memref<288x768xf32, #tpu.memory_space<vmem>>
    tpu.wait_dma2 semaphore(%dma_wait3A_230 : memref<!tpu.dma_semaphore, #tpu.memory_space<semaphore_mem>>) src(%dma_wait3A_237 : memref<288x768xf32, #tpu.memory_space<vmem>>) dst(%dma_wait3A_233 : memref<288x768xf32, #tpu.memory_space<any>>)
    %rem3A_238 = arith.constant 126 : i32
    %rem3A_239 = arith.constant 2 : i32
    %rem3A_240 = arith.remsi %rem3A_238, %rem3A_239 : i32
    %mul3A_241 = arith.constant 288 : i32
    %mul3A_242 = arith.muli %rem3A_240, %mul3A_241 : i32
    %dma_wait3A_243 = arith.constant 6 : i32
    %dma_wait3A_244 = arith.constant 63 : i32
    %dma_wait3A_245 = arith.constant 6 : i32
    %dma_wait3A_246 = tpu.memref_slice %arg8[%dma_wait3A_245] : memref<8x!tpu.dma_semaphore, #tpu.memory_space<semaphore_mem>> -> memref<1x!tpu.dma_semaphore, #tpu.memory_space<semaphore_mem>>
    %dma_wait3A_247 = tpu.memref_squeeze %dma_wait3A_246 : memref<1x!tpu.dma_semaphore, #tpu.memory_space<semaphore_mem>> -> memref<!tpu.dma_semaphore, #tpu.memory_space<semaphore_mem>>
    %dma_wait3A_248 = arith.constant 0 : i32
    %dma_wait3A_249 = tpu.memref_slice %arg4[%dma_wait3A_244, %mul3A_242, %dma_wait3A_248] : memref<64x576x768xf32, #tpu.memory_space<any>> -> memref<1x288x768xf32, #tpu.memory_space<any>>
    %dma_wait3A_250 = tpu.memref_squeeze %dma_wait3A_249 : memref<1x288x768xf32, #tpu.memory_space<any>> -> memref<288x768xf32, #tpu.memory_space<any>>
    %dma_wait3A_251 = arith.constant 0 : i32
    %dma_wait3A_252 = arith.constant 0 : i32
    %dma_wait3A_253 = tpu.memref_slice %arg6[%dma_wait3A_243, %dma_wait3A_251, %dma_wait3A_252] : memref<8x288x768xf32, #tpu.memory_space<vmem>> -> memref<1x288x768xf32, #tpu.memory_space<vmem>>
    %dma_wait3A_254 = tpu.memref_squeeze %dma_wait3A_253 : memref<1x288x768xf32, #tpu.memory_space<vmem>> -> memref<288x768xf32, #tpu.memory_space<vmem>>
    tpu.wait_dma2 semaphore(%dma_wait3A_247 : memref<!tpu.dma_semaphore, #tpu.memory_space<semaphore_mem>>) src(%dma_wait3A_254 : memref<288x768xf32, #tpu.memory_space<vmem>>) dst(%dma_wait3A_250 : memref<288x768xf32, #tpu.memory_space<any>>)
    %rem3A_255 = arith.constant 127 : i32
    %rem3A_256 = arith.constant 2 : i32
    %rem3A_257 = arith.remsi %rem3A_255, %rem3A_256 : i32
    %mul3A_258 = arith.constant 288 : i32
    %mul3A_259 = arith.muli %rem3A_257, %mul3A_258 : i32
    %dma_wait3A_260 = arith.constant 7 : i32
    %dma_wait3A_261 = arith.constant 63 : i32
    %dma_wait3A_262 = arith.constant 7 : i32
    %dma_wait3A_263 = tpu.memref_slice %arg8[%dma_wait3A_262] : memref<8x!tpu.dma_semaphore, #tpu.memory_space<semaphore_mem>> -> memref<1x!tpu.dma_semaphore, #tpu.memory_space<semaphore_mem>>
    %dma_wait3A_264 = tpu.memref_squeeze %dma_wait3A_263 : memref<1x!tpu.dma_semaphore, #tpu.memory_space<semaphore_mem>> -> memref<!tpu.dma_semaphore, #tpu.memory_space<semaphore_mem>>
    %dma_wait3A_265 = arith.constant 0 : i32
    %dma_wait3A_266 = tpu.memref_slice %arg4[%dma_wait3A_261, %mul3A_259, %dma_wait3A_265] : memref<64x576x768xf32, #tpu.memory_space<any>> -> memref<1x288x768xf32, #tpu.memory_space<any>>
    %dma_wait3A_267 = tpu.memref_squeeze %dma_wait3A_266 : memref<1x288x768xf32, #tpu.memory_space<any>> -> memref<288x768xf32, #tpu.memory_space<any>>
    %dma_wait3A_268 = arith.constant 0 : i32
    %dma_wait3A_269 = arith.constant 0 : i32
    %dma_wait3A_270 = tpu.memref_slice %arg6[%dma_wait3A_260, %dma_wait3A_268, %dma_wait3A_269] : memref<8x288x768xf32, #tpu.memory_space<vmem>> -> memref<1x288x768xf32, #tpu.memory_space<vmem>>
    %dma_wait3A_271 = tpu.memref_squeeze %dma_wait3A_270 : memref<1x288x768xf32, #tpu.memory_space<vmem>> -> memref<288x768xf32, #tpu.memory_space<vmem>>
    tpu.wait_dma2 semaphore(%dma_wait3A_264 : memref<!tpu.dma_semaphore, #tpu.memory_space<semaphore_mem>>) src(%dma_wait3A_271 : memref<288x768xf32, #tpu.memory_space<vmem>>) dst(%dma_wait3A_267 : memref<288x768xf32, #tpu.memory_space<any>>)
    return
  }
  func.func @transform_1(%arg0: i32) -> (i32, i32) {
    %c0_i32 = arith.constant 0 : i32
    %c0_i32_0 = arith.constant 0 : i32
    %c0_i32_1 = arith.constant 0 : i32
    return %c0_i32, %c0_i32_0 : i32, i32
  }
  func.func @transform_2(%arg0: i32) -> (i32, i32) {
    %c0_i32 = arith.constant 0 : i32
    %c0_i32_0 = arith.constant 0 : i32
    %c0_i32_1 = arith.constant 0 : i32
    return %c0_i32, %c0_i32_0 : i32, i32
  }
}

</mosaic_0001>

<sc_bundles>
// kernel: kernel.4.cloned.1.call-start
scs
__scs_entry_jumppad:
0x0: {  	(pc) =	sbr.rel $0x88, $3  }
0x1: {  	(tag) =	ssettag $0x0;
	lr =	simm.s32 $0x1  }
0x2: {  	[smem:$0x3F9D] =	sst lr;
	_ =	strace $0xD0000000  }
0x3: {  	_ = 	snop  }
0x4: {  	_ = 	snop  }
0x5: {  	_ = 	snop  }
0x6: {  	_ = 	snop  }
0x7: {  	_ = 	snop  }
__scs_overlays_trampoline_lowered:
0x8: {  	[smem:$0x3FAC] =	sst s0  }
0x9: {  	[smem:$0x3FAD] =	sst s1  }
0xa: {  	[smem:$0x3FAE] =	sst s2  }
0xb: {  	[smem:$0x3FAF] =	sst s3  }
0xc: {  	[smem:$0x3FB0] =	sst s4  }
0xd: {  	[smem:$0x3FB1] =	sst s5  }
0xe: {  	[smem:$0x3FB2] =	sst s6  }
0xf: {  	[smem:$0x3FB3] =	sst s7  }
0x10: {  	[smem:$0x3FB4] =	sst s8  }
0x11: {  	[smem:$0x3FB5] =	sst s9;
	s0 =	simm.s32 @!p0 $0x0  }
0x12: {  	s1 =	sld [smem:$0x3F9B];
	s0 =	simm.s32 @p0 $0x1  }
0x13: {  	[smem:$0x3FB6] =	sst s0;
	s0 =	simm.s32 @!p1 $0x0  }
0x14: {  	s2 =	sld [smem:$0x3F9A];
	s0 =	simm.s32 @p1 $0x1  }
0x15: {  	[smem:$0x3FB7] =	sst s0;
	s0 =	simm.s32 @!p2 $0x0  }
0x16: {  	s3 =	sld [smem:$0x3FDB];
	s0 =	simm.s32 @p2 $0x1  }
0x17: {  	s4 =	simm.s32 $0x1BF5;
	[smem:$0x3FB9] =	sst s0  }
0x18: {  	s0 =	sld [smem:$0x3F9C];
	_ =	swait.ge [sflag:s4], $0x0  }
0x19: {  	s7 =	sld [smem:$0x3F9D]  }
0x1a: {  	s8 =	sadd.s32 $0xFFFFE003, lr  }
0x1b: {  	s9 =	sadd.s32 $0xFFFFFEF7, lr;
	s5 =	simm.s32 $0xFFFFFFFF;
	p2 =	slt.u32 s8, $0xFFFFF086  }
0x1c: {  	p1 =	slt.u32 s9, $0xF7A;
	s5 =	simm.s32 @!p2 $0x0  }
0x1d: {  	s5 =	simm.s32 @p1 $0x1;
	p0 =	seq.s32 s7, s2  }
0x1e: {  	s7 =	smul.u32 @!p0 $0xF7A, s2;
	p2 =	seq.s32 @!p0 s5, $0x0  }
0x1f: {  	s9 =	smul.u32 $0xF7A, s1;
	s8 =	simm.s32 @!p0 $0x1BF5;
	p2 =	por !p2, p0  }
0x20: {  	[sflag:s8] =	ssyncset.s32 @!p0 $0xFFFFF086;
	s6 =	sadd.s32 @!p0 s3, s7;
	s7 =	simm.s32 @!p0 $0x108  }
0x21: {  	s3 =	sadd.s32 s3, s9;
	s6 =	sadd.s32 @!p0 $0x88, s6;
	s7 =	simm.s32 @p2 $0x1082  }
0x22: {  	[simem:s7], [sflag:s8] =	dma.local @!p0 [hbm:s6], $0xF7A  }
0x23: {  	s9 =	sor.u32 $0xD0000000, s2;
	s6 =	simm.s32 $0x108;
	_ =	swait.ge @!p0 [sflag:s8], $0x0  }
0x24: {  	s3 =	sadd.s32 $0x88, s3;
	s6 =	simm.s32 @!p1 $0x1082;
	[sflag:s4] =	ssyncset.s32 $0xFFFFF086  }
0x25: {  	[simem:s6], [sflag:s4] =	dma.local [hbm:s3], $0xF7A  }
0x26: {  	[smem:$0x3F9D] =	sst s1;
	(tag) =	ssettag s2;
	_ =	strace s9  }
0x27: {  	s1 =	sld [smem:$0x3FAD]  }
0x28: {  	s2 =	sld [smem:$0x3FAE]  }
0x29: {  	s4 =	sld [smem:$0x3FB0]  }
0x2a: {  	p0 =	seq.s32 s5, $0x0;
	s5 =	sld [smem:$0x3FB1]  }
0x2b: {  	s6 =	sld [smem:$0x3FB2]  }
0x2c: {  	s7 =	sld [smem:$0x3FB3]  }
0x2d: {  	s3 =	simm.s32 $0x108;
	s8 =	sld [smem:$0x3FB4]  }
0x2e: {  	s3 =	simm.s32 @!p0 $0x1082;
	s9 =	sld [smem:$0x3FB5]  }
0x2f: {  	lr =	sadd.s32 s0, s3;
	s0 =	sld [smem:$0x3FAC]  }
0x30: {  	s3 =	sld [smem:$0x3FAF]  }
0x31: {  	[smem:$0x3FB8] =	sst s10  }
0x32: {  	s10 =	sld [smem:$0x3FB6];
	_ =	sdelay $0x3  }
0x33: {  	p0 =	seq.s32 s10, $0x1;
	s10 =	sld [smem:$0x3FB8];
	_ =	sdelay $0x3  }
0x34: {  	[smem:$0x3FB8] =	sst s10  }
0x35: {  	s10 =	sld [smem:$0x3FB7];
	_ =	sdelay $0x3  }
0x36: {  	p1 =	seq.s32 s10, $0x1;
	s10 =	sld [smem:$0x3FB8];
	_ =	sdelay $0x3  }
0x37: {  	[smem:$0x3FB8] =	sst s10  }
0x38: {  	s10 =	sld [smem:$0x3FB9]  }
0x39: {  	_ = 	snop;
	(pc) =	sbr.ind lr, $3  }
0x3a: {  	_ = 	snop  }
0x3b: {  	_ = 	snop  }
0x3c: {  	p2 =	seq.s32 s10, $0x1;
	s10 =	sld [smem:$0x3FB8]  }
0x3d: {  	_ =	shalt  }
0x3e: {  	_ =	shalt  }
0x3f: {  	_ =	shalt  }
0x40: {  	_ =	shalt  }
0x41: {  	_ =	shalt  }
0x42: {  	_ =	shalt  }
0x43: {  	_ =	shalt  }
0x44: {  	_ =	shalt  }
0x45: {  	_ =	shalt  }
0x46: {  	_ =	shalt  }
0x47: {  	_ =	shalt  }
0x48: {  	_ =	shalt  }
0x49: {  	_ =	shalt  }
0x4a: {  	_ =	shalt  }
0x4b: {  	_ =	shalt  }
0x4c: {  	_ =	shalt  }
0x4d: {  	_ =	shalt  }
0x4e: {  	_ =	shalt  }
0x4f: {  	_ =	shalt  }
0x50: {  	_ =	shalt  }
0x51: {  	_ =	shalt  }
0x52: {  	_ =	shalt  }
0x53: {  	_ =	shalt  }
0x54: {  	_ =	shalt  }
0x55: {  	_ =	shalt  }
0x56: {  	_ =	shalt  }
0x57: {  	_ =	shalt  }
0x58: {  	_ =	shalt  }
0x59: {  	_ =	shalt  }
0x5a: {  	_ =	shalt  }
0x5b: {  	_ =	shalt  }
0x5c: {  	_ =	shalt  }
0x5d: {  	_ =	shalt  }
0x5e: {  	_ =	shalt  }
0x5f: {  	_ =	shalt  }
0x60: {  	_ =	shalt  }
0x61: {  	_ =	shalt  }
0x62: {  	_ =	shalt  }
0x63: {  	_ =	shalt  }
0x64: {  	_ =	shalt  }
0x65: {  	_ =	shalt  }
0x66: {  	_ =	shalt  }
0x67: {  	_ =	shalt  }
0x68: {  	_ =	shalt  }
0x69: {  	_ =	shalt  }
0x6a: {  	_ =	shalt  }
0x6b: {  	_ =	shalt  }
0x6c: {  	_ =	shalt  }
0x6d: {  	_ =	shalt  }
0x6e: {  	_ =	shalt  }
0x6f: {  	_ =	shalt  }
0x70: {  	_ =	shalt  }
0x71: {  	_ =	shalt  }
0x72: {  	_ =	shalt  }
0x73: {  	_ =	shalt  }
0x74: {  	_ =	shalt  }
0x75: {  	_ =	shalt  }
0x76: {  	_ =	shalt  }
0x77: {  	_ =	shalt  }
0x78: {  	_ =	shalt  }
0x79: {  	_ =	shalt  }
0x7a: {  	_ =	shalt  }
0x7b: {  	_ =	shalt  }
0x7c: {  	_ =	shalt  }
0x7d: {  	_ =	shalt  }
0x7e: {  	_ =	shalt  }
0x7f: {  	_ =	shalt  }
0x80: {  	_ =	shalt  }
0x81: {  	_ =	shalt  }
0x82: {  	_ =	shalt  }
0x83: {  	_ =	shalt  }
0x84: {  	_ =	shalt  }
0x85: {  	_ =	shalt  }
0x86: {  	_ =	shalt  }
0x87: {  	_ =	shalt  }
.Lfunc_end0:
.L_simem_size_0:
called_computation_lowered:
.L_overlay_start_0:
0x88: {  	s2 =	sld [smem:$0x3FD9]  }
0x89: {  	s3 =	sld [smem:$0x3FFE];
	_ =	sdelay $0x1  }
0x8a: {  	s1 =	srdreg.scid  }
0x8b: {  	s0 =	sand.u32 $0x1, s1  }
0x8c: {  	s17 =	sshll.u32 s0, $0xA;
	s2 =	sadd.s32 s3, s2  }
0x8d: {  	s2 =	sadd.s32 s2, s17  }
0x8e: {  	[smem:$0x3FC4] =	sst s2  }
0x8f: {  	_ = 	snop  }
0x90: {  	s2 =	sld [smem:$0x3FC8]  }
0x91: {  	s18 =	sld [smem:$0x3FD0];
	(tm) =	ssettm $0x1  }
0x92: {  	s4 =	sld [smem:$0x3FFB];
	_ =	sdelay $0x3  }
0x93: {  	_ =	strace s4  }
0x94: {  	s4 =	sld [smem:$0x3FFC];
	_ =	sdelay $0x3  }
0x95: {  	_ =	strace s4  }
0x96: {  	s4 =	sld [smem:$0x3FFD];
	_ =	sdelay $0x3  }
0x97: {  	_ =	strace s4  }
0x98: {  	_ =	strace $0x8FFFFFFF  }
0x99: {  	s19 =	sld [smem:$0x3FDB];
	_ =	sdelay $0x1  }
0x9a: {  	s5 =	simm.s32 $_scs_section_size  }
0x9b: {  	s6 =	simm.s32 $_size__tile_overlayer_lowered;
	s7 =	simm.s32 $_tile_overlayer_lowered  }
0x9c: {  	s22 =	simm.s32 $0x1BFF;
	s21 =	sshll.u32 s7, $0x1;
	s4 =	sadd.s32 s5, s19  }
0x9d: {  	s8 =	simm.s32 $0x0;
	s20 =	sshll.u32 s6, $0x1;
	s6 =	sadd.s32 s21, s4  }
0x9e: {  	[timem:s8], [sflag:s22] =	dma.local [hbm:s6], s20  }
0x9f: {  	_ =	swait.ge [sflag:s22], s20  }
0xa0: {  	s5 =	ssub.s32 $0x0, s20;
	[sflag:s22] =	ssyncset.done $0x0  }
0xa1: {  	[sflag:s22] =	ssyncadd.s32 s5;
	_ =	sdelay $0x1  }
0xa2: {  	s23 =	simm.s32 $0x1B8B  }
0xa3: {  	_ =	swait.ge [sflag:s23], $0x1  }
0xa4: {  	[sflag:s23] =	ssyncset.done $0x0  }
0xa5: {  	s25 =	simm.s32 $0x1B8E;
	s24 =	sld [smem:$0x3FFE];
	[sflag:s23] =	ssyncadd.s32 $0xFFFFFFFF  }
0xa6: {  	s26 =	simm.s32 $execute0_lowered;
	[smem:$0x3FD2] =	sst s25  }
0xa7: {  	s6 =	sshll.u32 s26, $0x1;
	_ =	strace $0x80000046;
	[dreg:$0x1] =	wrdreg $0xFFFFFFFF  }
0xa8: {  	s28 =	simm.s32 $_size_execute0_lowered;
	s4 =	sadd.s32 s4, s6;
	[dreg:$0x0] =	wrdreg $0x0  }
0xa9: {  	s6 =	sshll.u32 s28, $0x1;
	[dreg:$0x2] =	wrdreg s4  }
0xaa: {  	[dreg:$0x3] =	wrdreg s6  }
0xab: {  	[dreg:$0x4] =	wrdreg $0xC0  }
0xac: {  	_ =	task [dreg:s8], $0x5FFFF  }
0xad: {  	[dreg:$0x1] =	wrdreg $0xFFFFFFFF  }
0xae: {  	[dreg:$0x0] =	wrdreg $0x60  }
0xaf: {  	[dreg:$0x2] =	wrdreg s2  }
0xb0: {  	[dreg:$0x3] =	wrdreg s24  }
0xb1: {  	[dreg:$0x4] =	wrdreg s18  }
0xb2: {  	[dreg:$0x5] =	wrdreg $0x9  }
0xb3: {  	_ =	task.clear_ibuf [dreg:s8], $0x6FFFF;
	_ =	strace $0x90000046  }
0xb4: {  	s29 =	simm.s32 $0x9;
	_ =	strace $0x80000048  }
0xb5: {  	_ =	swait.ge [sflag:s29], $0x1  }
0xb6: {  	[sflag:s29] =	ssyncadd.s32 $0xFFFFFFFF  }
0xb7: {  	_ =	strace $0x90000048  }
0xb8: {  	_ =	sfence  }
0xb9: {  	s30 =	sld [smem:$0x0];
	_ =	sdelay $0x2  }
0xba: {  	s31 =	sshll.u32 s1, $0xD;
	s1 =	sshrl.u32 s1, $0x2  }
0xbb: {  	s3 =	sand.u32 $0x4000, s31;
	s1 =	sadd.s32 s1, s30  }
0xbc: {  	s0 =	sor.u32 s3, s0;
	s1 =	sshll.u32 s1, $0x11  }
0xbd: {  	s0 =	sor.u32 s1, s0  }
0xbe: {  	s0 =	sadd.s32 $0x8F2B, s0  }
0xbf: {  	[sflag:s0] =	ssyncadd.remote.s32 $0x1  }
0xc0: {  	_ =	sfence.sel $0xFFFF  }
0xc1: {  	[dreg:$0x0] =	wrdreg $0xFFFFFFFF;
	(pc) =	sbr.abs _section_cstart, $3  }
0xc2: {  	[dreg:$0x1] =	wrdreg $0xFFFFFFFF  }
0xc3: {  	_ =	task.clear_ibuf [dreg:s8], $0x2FFFF;
	_ =	strace $0x9FFFFFFF  }
0xc4: {  	(tm) =	ssettm $0x7FFFFFFF  }
0xc5: {  	_ =	shalt  }
tec
execute0_lowered:
.L_overlay_start_1:
0x0: {  	(tag) =	ssettag $0x1  }
0x1: {  	s1 =	stileid.u32  }
0x2: {  	p0 =	sgt.u32 s1, $0x3  }
.Ltmp0:
0x3: {  	s3 =	rddreg [dreg:$0x0];
	(pc) =	sbr.rel @p0 .LBB2_4-.Ltmp0, $4  }
0x4: {  	s8 =	rddreg [dreg:$0x1]  }
0x5: {  	s12 =	rddreg [dreg:$0x2];
	s2 =	simm.s32 $0x0  }
0x6: {  	[smem:$0x7FF] =	sst s2  }
0x7: {  	s0 =	rddreg [dreg:$0x3];
	_ =	strace $0x80000047  }
0x8: {  	s4 =	srdreg.scid  }
0x9: {  	s30 =	sshll.u32 s1, $0x1;
	s10 =	sand.u32 $0x1, s4  }
0xa: {  	s13 =	sor.u32 s10, s30  }
0xb: {  	s4 =	sadd.s32 s3, s13;
	s3 =	simm.s32 $0x2  }
0xc: {  	[tilespmem:s2], [sflag:$0x2] =	stream.linear.gather [hbm4b:s4+s2], $0x8, $0x38;
	[tilespmem:$0x1880] =	vst v63  }
0xd: {  	_ =	swait.ge [sflag:s3], $0x8  }
0xe: {  	[sflag:s3] =	ssyncset.done $0x0  }
0xf: {  	[sflag:s3] =	ssyncadd.s32 $0xFFFFFFF8  }
0x10: {  	v0 =	vld.msk [tilespmem:$0x0], $0xff;
	_ =	sdelay $0x4  }
0x11: {  	v1 =	vshrl.u32 v0, $0x3  }
0x12: {  	v1 =	vmul.u32 $0x30, v1  }
0x13: {  	v2 =	vlaneseq.u32;
	v3 =	vand.u32 $0x7, v0  }
0x14: {  	v0 =	vand.u32 $0x7, v2;
	v2 =	vshrl.u32 v2, $0x3;
	v3 =	vor.u32 v3, v1  }
0x15: {  	v1 =	vmul.u32 $0x8, v2;
	v2 =	vperm.xlane v3, v0;
	_ =	sdelay $0x1  }
0x16: {  	v2 =	vadd.s32 v1, v2;
	_ =	sdelay $0x2  }
0x17: {  	s5 =	sadd.s32 $0x600, s8;
	s14 =	ssub.s32 $0x2, s10  }
0x18: {  	vm0 =	vmmov $0xffff;
	s6 =	simm.s32 $0x80;
	s7 =	sadd.s32 $0x700, s8;
	s15 =	sshrl.u32 s14, $0x1  }
0x19: {  	[tilespmem:s6], [sflag:$0x1] =	stream.indirect_vreg.gather [hbm4b:s5+s2], $0x80, v2, vm0, $0xb8;
	[tilespmem:$0x1880] =	vst v63  }
0x1a: {  	s8 =	sadd.s32 $0x800, s8;
	s9 =	simm.s32 $0x880;
	s14 =	ssub.s32 s14, s15  }
0x1b: {  	[tilespmem:s9], [sflag:$0x1] =	stream.indirect_vreg.gather [hbm4b:s7+s2], $0x80, v2, vm0, $0xb8;
	[tilespmem:$0x1880] =	vst v63  }
0x1c: {  	s11 =	simm.s32 $0x1;
	s10 =	simm.s32 $0x1080;
	s31 =	smax.u32 s14, $0x1  }
0x1d: {  	[tilespmem:s10], [sflag:$0x1] =	stream.indirect_vreg.gather [hbm4b:s8+s2], $0x80, v2, vm0, $0xb8;
	[tilespmem:$0x1880] =	vst v63  }
0x1e: {  	s13 =	smul.u32 $0x300, s13;
	p0 =	sne.s32 s31, $0x1;
	_ =	swait.ge [sflag:s11], $0x1800  }
.Ltmp1:
0x1f: {  	[sflag:s11] =	ssyncset.done $0x0;
	(pc) =	sbr.rel @!p0 .LBB2_3-.Ltmp1, $4  }
0x20: {  	s12 =	sadd.s32 s12, s13;
	[sflag:s11] =	ssyncadd.s32 $0xFFFFE800  }
0x21: {  	[hbm4b:s12+s2] =	stream.linear.scatter [tilespmem:s6], [sflag:$0x2], $0x1800, $0x38;
	[tilespmem:$0x1880] =	vst v63  }
0x22: {  	_ =	swait.ge [sflag:s3], $0x1800  }
0x23: {  	s13 =	sadd.s32 $0xFFFFFFFF, s31;
	[sflag:s3] =	ssyncset.done $0x0  }
.LBB2_2:
0x24: {  	p0 =	sne.s32 s13, $0x1;
	s13 =	sadd.s32 $0xFFFFFFFF, s13;
	[sflag:s3] =	ssyncadd.s32 $0xFFFFE800  }
0x25: {  	[tilespmem:s2], [sflag:$0x2] =	stream.linear.gather [hbm4b:s4+s2], $0x8, $0x38;
	[tilespmem:$0x1880] =	vst v63  }
0x26: {  	_ =	swait.ge [sflag:s3], $0x8  }
0x27: {  	[sflag:s3] =	ssyncset.done $0x0  }
0x28: {  	[sflag:s3] =	ssyncadd.s32 $0xFFFFFFF8  }
0x29: {  	v2 =	vld.msk [tilespmem:$0x0], $0xff;
	_ =	sdelay $0x4  }
0x2a: {  	v3 =	vshrl.u32 v2, $0x3  }
0x2b: {  	v3 =	vmul.u32 $0x30, v3  }
0x2c: {  	v2 =	vand.u32 $0x7, v2  }
0x2d: {  	v2 =	vor.u32 v2, v3  }
0x2e: {  	v2 =	vperm.xlane v2, v0;
	_ =	sdelay $0x1  }
0x2f: {  	v2 =	vadd.s32 v1, v2;
	_ =	sdelay $0x4  }
0x30: {  	[tilespmem:s6], [sflag:$0x1] =	stream.indirect_vreg.gather [hbm4b:s5+s2], $0x80, v2, vm0, $0xb8;
	[tilespmem:$0x1880] =	vst v63  }
0x31: {  	_ = 	snop  }
0x32: {  	[tilespmem:s9], [sflag:$0x1] =	stream.indirect_vreg.gather [hbm4b:s7+s2], $0x80, v2, vm0, $0xb8;
	[tilespmem:$0x1880] =	vst v63  }
0x33: {  	_ = 	snop  }
0x34: {  	[tilespmem:s10], [sflag:$0x1] =	stream.indirect_vreg.gather [hbm4b:s8+s2], $0x80, v2, vm0, $0xb8;
	[tilespmem:$0x1880] =	vst v63  }
0x35: {  	_ =	swait.ge [sflag:s11], $0x1800  }
.Ltmp2:
0x36: {  	[sflag:s11] =	ssyncset.done $0x0;
	(pc) =	sbr.rel @p0 .LBB2_2-.Ltmp2, $4  }
0x37: {  	[sflag:s11] =	ssyncadd.s32 $0xFFFFE800  }
0x38: {  	[hbm4b:s12+s2] =	stream.linear.scatter [tilespmem:s6], [sflag:$0x2], $0x1800, $0x38;
	[tilespmem:$0x1880] =	vst v63  }
0x39: {  	_ =	swait.ge [sflag:s3], $0x1800  }
0x3a: {  	[sflag:s3] =	ssyncset.done $0x0  }
.LBB2_3:
0x3b: {  	[sflag:s3] =	ssyncadd.s32 $0xFFFFE800  }
.LBB2_4:
0x3c: {  	_ =	sfence.sel $0x180000  }
0x3d: {  	[bflag:$0x0] =	sbarrier.arrive $0xFFFF  }
0x3e: {  	p0 =	sne.s32 s1, $0x0;
	_ =	strace $0x90000047  }
0x3f: {  	s0 =	sadd.s32 @!p0 $0x100000, s0;
	[bflag:$0x2] =	sbarrier.arrive $0xFFFF  }
0x40: {  	[sflag:s0] =	ssyncadd.tile.s32 @!p0 $0x1;
	_ =	shalt  }
.Lfunc_end2:
_tile_overlayer_lowered:
.L_overlay_start_2:
0x41: {  	(tag) =	ssettag $0x2  }
0x42: {  	s0 =	rddreg [dreg:$0x0];
	s2 =	stileid.u32  }
0x43: {  	s1 =	rddreg [dreg:$0x1];
	p0 =	sne.s32 s2, $0x0  }
0x44: {  	s3 =	rddreg [dreg:$0x2];
	[bflag:$0x3] =	sbarrier.arrive $0xFFFF;
	s2 =	simm.s32 @!p0 $0x1C02  }
0x45: {  	[timem:s3], [sflag:s2] =	dma.local @!p0 [hbm:s0], s1  }
0x46: {  	s0 =	simm.s32 @!p0 $0x2  }
0x47: {  	_ =	swait.ge @!p0 [sflag:s0], s1  }
0x48: {  	s1 =	ssub.s32 @!p0 $0x0, s1;
	[sflag:s0] =	ssyncset.done @!p0 $0x0  }
0x49: {  	[sflag:s0] =	ssyncadd.s32 @!p0 s1  }
0x4a: {  	[bflag:$0x3] =	sbarrier.arrive $0xFFFF  }
0x4b: {  	_ =	shalt  }

</sc_bundles>
